<compile_context>
chip_gen: v7x
topology: tpu7x:2x2x1
jax: 0.10.2.dev20260603
libtpu: 0.0.44.dev20260713+nightly
codegen_flags: <defaults>
</compile_context>

<pallas_src>
import functools

import jax
import jax.numpy as jnp
from jax import lax
from jax.experimental import pallas as pl
from jax.experimental.pallas import tpu as pltpu
from jax.experimental.pallas import tpu_sc as plsc

_SEQ_LEN = 8192
_EMB_DIM = 1024
_N = 16384

_NC = 2
_NS = 16
_NW = _NC * _NS
_B_PER_W = _N // _NW
_CH = 16
_NCH = _B_PER_W // _CH
_NBUF = 7


@functools.partial(
    pl.kernel,
    out_type=jax.ShapeDtypeStruct((_N, _EMB_DIM), jnp.float32),
    mesh=plsc.VectorSubcoreMesh(core_axis_name="c", subcore_axis_name="s"),
    scratch_types=(
        [pltpu.VMEM((_B_PER_W,), jnp.int32)]
        + [pltpu.VMEM((_CH, _EMB_DIM), jnp.float32) for _ in range(_NBUF)]
        + [pltpu.SemaphoreType.DMA for _ in range(2 * _NBUF)]
    ),
)
def _gather_rows(t_hbm, pem_hbm, out_hbm, idx_v, *rest):
    bufs = rest[:_NBUF]
    gsems = rest[_NBUF : 2 * _NBUF]
    ssems = rest[2 * _NBUF :]

    wid = lax.axis_index("s") * _NC + lax.axis_index("c")
    base = wid * _B_PER_W
    pltpu.sync_copy(t_hbm.at[pl.ds(base, _B_PER_W)], idx_v)

    def start_gather(ch):
        b = ch % _NBUF
        return pltpu.async_copy(
            pem_hbm.at[idx_v.at[pl.ds(ch * _CH, _CH)]], bufs[b], gsems[b]
        )

    gathers = [None] * _NCH
    stores = [None] * _NCH
    for ch in range(_NBUF - 1):
        gathers[ch] = start_gather(ch)
    for ch in range(_NCH):
        b = ch % _NBUF
        gathers[ch].wait()
        nxt = ch + _NBUF - 1
        if nxt < _NCH:
            prev = nxt - _NBUF
            if prev >= 0:
                stores[prev].wait()
            gathers[nxt] = start_gather(nxt)
        stores[ch] = pltpu.async_copy(
            bufs[b], out_hbm.at[pl.ds(base + ch * _CH, _CH)], ssems[b]
        )
    for ch in range(max(0, _NCH - _NBUF), _NCH):
        stores[ch].wait()


@jax.jit
def kernel(t, pem):
    return _gather_rows(t.astype(jnp.int32), pem)

# --- scband reference (transcript-rebuilt; emitter-appended) ---
"""Pipeline reference for scband-positional-encoder-42460046688965 (READ-ONLY COPY).

The authoritative reference and input builder live on the scoring server;
editing this copy changes nothing except your own understanding.
"""

import jax, jax.numpy as jnp
import numpy as np

SEQ_LEN = 8192
EMB_DIM = 1024
N = 16384


def create_sinusoidal_pos_emb(seq_len, dim):
    pos = jnp.arange(0, seq_len, dtype=jnp.float32)[:, None]
    i = jnp.arange(0, dim, 2, dtype=jnp.float32)
    angle = pos / jnp.power(10000.0, 2.0 * i / dim)
    pem = jnp.zeros((seq_len, dim), dtype=jnp.float32)
    pem = pem.at[:, 0::2].set(jnp.sin(angle))
    pem = pem.at[:, 1::2].set(jnp.cos(angle))
    return pem


def setup_inputs(seed: int = 0) -> dict:
    key = jax.random.key(seed)
    t = jax.random.randint(key, (N,), 0, SEQ_LEN)
    pem = create_sinusoidal_pos_emb(SEQ_LEN, EMB_DIM)
    return {"t": t, "pem": pem}


def reference(t, pem):
    # Faithful translation of PositionalEncoder.forward: row gather from the
    # precomputed sinusoidal table.
    return jnp.take(pem, t, axis=0)

if __name__ == "__main__":
    import jax
    _d = setup_inputs()
    print(jax.jit(kernel)(*tuple(_d.values())))

</pallas_src>

<mosaic_0001>
#map = affine_map<(d0, d1) -> (0)>
#map1 = affine_map<(d0, d1) -> (0, 0)>
module attributes {stable_mosaic.version = 14 : i64} {
  func.func @_gather_rows(%arg0: i32, %arg1: i32, %arg2: memref<16384xi32, #tpu.memory_space<hbm>>, %arg3: memref<8192x1024xf32, #tpu.memory_space<hbm>>, %arg4: memref<16384x1024xf32, #tpu.memory_space<hbm>>, %arg5: memref<512xi32, #tpu.memory_space<vmem>>, %arg6: memref<16x1024xf32, #tpu.memory_space<vmem>>, %arg7: memref<16x1024xf32, #tpu.memory_space<vmem>>, %arg8: memref<16x1024xf32, #tpu.memory_space<vmem>>, %arg9: memref<16x1024xf32, #tpu.memory_space<vmem>>, %arg10: memref<16x1024xf32, #tpu.memory_space<vmem>>, %arg11: memref<16x1024xf32, #tpu.memory_space<vmem>>, %arg12: memref<16x1024xf32, #tpu.memory_space<vmem>>, %arg13: memref<!tpu.dma_semaphore, #tpu.memory_space<semaphore_mem>>, %arg14: memref<!tpu.dma_semaphore, #tpu.memory_space<semaphore_mem>>, %arg15: memref<!tpu.dma_semaphore, #tpu.memory_space<semaphore_mem>>, %arg16: memref<!tpu.dma_semaphore, #tpu.memory_space<semaphore_mem>>, %arg17: memref<!tpu.dma_semaphore, #tpu.memory_space<semaphore_mem>>, %arg18: memref<!tpu.dma_semaphore, #tpu.memory_space<semaphore_mem>>, %arg19: memref<!tpu.dma_semaphore, #tpu.memory_space<semaphore_mem>>, %arg20: memref<!tpu.dma_semaphore, #tpu.memory_space<semaphore_mem>>, %arg21: memref<!tpu.dma_semaphore, #tpu.memory_space<semaphore_mem>>, %arg22: memref<!tpu.dma_semaphore, #tpu.memory_space<semaphore_mem>>, %arg23: memref<!tpu.dma_semaphore, #tpu.memory_space<semaphore_mem>>, %arg24: memref<!tpu.dma_semaphore, #tpu.memory_space<semaphore_mem>>, %arg25: memref<!tpu.dma_semaphore, #tpu.memory_space<semaphore_mem>>, %arg26: memref<!tpu.dma_semaphore, #tpu.memory_space<semaphore_mem>>) attributes {dimension_semantics = [#tpu.dimension_semantics<core_parallel>, #tpu.dimension_semantics<subcore_parallel>], iteration_bounds = array<i64: 2, 16>, scalar_prefetch = 0 : i64, scratch_operands = 22 : i64, tpu.core_type = #tpu.core_type<sc_vector_subcore>, window_params = [{transform_indices = #map}, {transform_indices = #map1}, {transform_indices = #map1}]} {
    %mul3A = arith.constant 2 : i32
    %mul3A_0 = arith.muli %arg1, %mul3A : i32
    %add3A = arith.addi %mul3A_0, %arg0 : i32
    %mul3A_1 = arith.constant 512 : i32
    %mul3A_2 = arith.muli %add3A, %mul3A_1 : i32
    "tpu.region"() ({
      %run_scoped3A = tpu.sem_alloc : memref<!tpu.dma_semaphore, #tpu.memory_space<semaphore_mem>>
      %dma_start3A_641 = tpu.memref_slice %arg2[%mul3A_2] : memref<16384xi32, #tpu.memory_space<hbm>> -> memref<512xi32, #tpu.memory_space<hbm>>
      %dma_start3A_642 = tpu.memref_slice %arg2[%mul3A_2] : memref<16384xi32, #tpu.memory_space<hbm>> -> memref<512xi32, #tpu.memory_space<hbm>>
      tpu.enqueue_dma source(%dma_start3A_642 : memref<512xi32, #tpu.memory_space<hbm>>) target(%arg5 : memref<512xi32, #tpu.memory_space<vmem>>) target_semaphore(%run_scoped3A : memref<!tpu.dma_semaphore, #tpu.memory_space<semaphore_mem>>)
      %dma_wait3A_643 = tpu.memref_slice %arg2[%mul3A_2] : memref<16384xi32, #tpu.memory_space<hbm>> -> memref<512xi32, #tpu.memory_space<hbm>>
      %dma_wait3A_644 = tpu.memref_slice %arg2[%mul3A_2] : memref<16384xi32, #tpu.memory_space<hbm>> -> memref<512xi32, #tpu.memory_space<hbm>>
      tpu.wait_dma2 semaphore(%run_scoped3A : memref<!tpu.dma_semaphore, #tpu.memory_space<semaphore_mem>>) src(%dma_wait3A_644 : memref<512xi32, #tpu.memory_space<hbm>>) dst(%arg5 : memref<512xi32, #tpu.memory_space<vmem>>)
      tpu.yield
    }) : () -> ()
    %dma_start3A = arith.constant 0 : i32
    %dma_start3A_3 = tpu.memref_slice %arg5[%dma_start3A] : memref<512xi32, #tpu.memory_space<vmem>> -> memref<16xi32, #tpu.memory_space<vmem>>
    %dma_start3A_4 = arith.constant 0 : i32
    %dma_start3A_5 = arith.constant 0 : i32
    %dma_start3A_6 = tpu.memref_slice %arg3[%dma_start3A_4, %dma_start3A_5] : memref<8192x1024xf32, #tpu.memory_space<hbm>> -> memref<8192x1024xf32, #tpu.memory_space<hbm>>
    tpu.enqueue_indirect_dma source(%dma_start3A_6 : memref<8192x1024xf32, #tpu.memory_space<hbm>>) target(%arg6 : memref<16x1024xf32, #tpu.memory_space<vmem>>) offsets(%dma_start3A_3 : memref<16xi32, #tpu.memory_space<vmem>>) semaphore(%arg13 : memref<!tpu.dma_semaphore, #tpu.memory_space<semaphore_mem>>)
    %dma_start3A_7 = arith.constant 16 : i32
    %dma_start3A_8 = tpu.memref_slice %arg5[%dma_start3A_7] : memref<512xi32, #tpu.memory_space<vmem>> -> memref<16xi32, #tpu.memory_space<vmem>>
    %dma_start3A_9 = arith.constant 0 : i32
    %dma_start3A_10 = arith.constant 0 : i32
    %dma_start3A_11 = tpu.memref_slice %arg3[%dma_start3A_9, %dma_start3A_10] : memref<8192x1024xf32, #tpu.memory_space<hbm>> -> memref<8192x1024xf32, #tpu.memory_space<hbm>>
    tpu.enqueue_indirect_dma source(%dma_start3A_11 : memref<8192x1024xf32, #tpu.memory_space<hbm>>) target(%arg7 : memref<16x1024xf32, #tpu.memory_space<vmem>>) offsets(%dma_start3A_8 : memref<16xi32, #tpu.memory_space<vmem>>) semaphore(%arg14 : memref<!tpu.dma_semaphore, #tpu.memory_space<semaphore_mem>>)
    %dma_start3A_12 = arith.constant 32 : i32
    %dma_start3A_13 = tpu.memref_slice %arg5[%dma_start3A_12] : memref<512xi32, #tpu.memory_space<vmem>> -> memref<16xi32, #tpu.memory_space<vmem>>
    %dma_start3A_14 = arith.constant 0 : i32
    %dma_start3A_15 = arith.constant 0 : i32
    %dma_start3A_16 = tpu.memref_slice %arg3[%dma_start3A_14, %dma_start3A_15] : memref<8192x1024xf32, #tpu.memory_space<hbm>> -> memref<8192x1024xf32, #tpu.memory_space<hbm>>
    tpu.enqueue_indirect_dma source(%dma_start3A_16 : memref<8192x1024xf32, #tpu.memory_space<hbm>>) target(%arg8 : memref<16x1024xf32, #tpu.memory_space<vmem>>) offsets(%dma_start3A_13 : memref<16xi32, #tpu.memory_space<vmem>>) semaphore(%arg15 : memref<!tpu.dma_semaphore, #tpu.memory_space<semaphore_mem>>)
    %dma_start3A_17 = arith.constant 48 : i32
    %dma_start3A_18 = tpu.memref_slice %arg5[%dma_start3A_17] : memref<512xi32, #tpu.memory_space<vmem>> -> memref<16xi32, #tpu.memory_space<vmem>>
    %dma_start3A_19 = arith.constant 0 : i32
    %dma_start3A_20 = arith.constant 0 : i32
    %dma_start3A_21 = tpu.memref_slice %arg3[%dma_start3A_19, %dma_start3A_20] : memref<8192x1024xf32, #tpu.memory_space<hbm>> -> memref<8192x1024xf32, #tpu.memory_space<hbm>>
    tpu.enqueue_indirect_dma source(%dma_start3A_21 : memref<8192x1024xf32, #tpu.memory_space<hbm>>) target(%arg9 : memref<16x1024xf32, #tpu.memory_space<vmem>>) offsets(%dma_start3A_18 : memref<16xi32, #tpu.memory_space<vmem>>) semaphore(%arg16 : memref<!tpu.dma_semaphore, #tpu.memory_space<semaphore_mem>>)
    %dma_start3A_22 = arith.constant 64 : i32
    %dma_start3A_23 = tpu.memref_slice %arg5[%dma_start3A_22] : memref<512xi32, #tpu.memory_space<vmem>> -> memref<16xi32, #tpu.memory_space<vmem>>
    %dma_start3A_24 = arith.constant 0 : i32
    %dma_start3A_25 = arith.constant 0 : i32
    %dma_start3A_26 = tpu.memref_slice %arg3[%dma_start3A_24, %dma_start3A_25] : memref<8192x1024xf32, #tpu.memory_space<hbm>> -> memref<8192x1024xf32, #tpu.memory_space<hbm>>
    tpu.enqueue_indirect_dma source(%dma_start3A_26 : memref<8192x1024xf32, #tpu.memory_space<hbm>>) target(%arg10 : memref<16x1024xf32, #tpu.memory_space<vmem>>) offsets(%dma_start3A_23 : memref<16xi32, #tpu.memory_space<vmem>>) semaphore(%arg17 : memref<!tpu.dma_semaphore, #tpu.memory_space<semaphore_mem>>)
    %dma_start3A_27 = arith.constant 80 : i32
    %dma_start3A_28 = tpu.memref_slice %arg5[%dma_start3A_27] : memref<512xi32, #tpu.memory_space<vmem>> -> memref<16xi32, #tpu.memory_space<vmem>>
    %dma_start3A_29 = arith.constant 0 : i32
    %dma_start3A_30 = arith.constant 0 : i32
    %dma_start3A_31 = tpu.memref_slice %arg3[%dma_start3A_29, %dma_start3A_30] : memref<8192x1024xf32, #tpu.memory_space<hbm>> -> memref<8192x1024xf32, #tpu.memory_space<hbm>>
    tpu.enqueue_indirect_dma source(%dma_start3A_31 : memref<8192x1024xf32, #tpu.memory_space<hbm>>) target(%arg11 : memref<16x1024xf32, #tpu.memory_space<vmem>>) offsets(%dma_start3A_28 : memref<16xi32, #tpu.memory_space<vmem>>) semaphore(%arg18 : memref<!tpu.dma_semaphore, #tpu.memory_space<semaphore_mem>>)
    %dma_wait3A = arith.constant 0 : i32
    %dma_wait3A_32 = tpu.memref_slice %arg5[%dma_wait3A] : memref<512xi32, #tpu.memory_space<vmem>> -> memref<16xi32, #tpu.memory_space<vmem>>
    %dma_wait3A_33 = arith.constant 0 : i32
    %dma_wait3A_34 = arith.constant 0 : i32
    %dma_wait3A_35 = tpu.memref_slice %arg3[%dma_wait3A_33, %dma_wait3A_34] : memref<8192x1024xf32, #tpu.memory_space<hbm>> -> memref<8192x1024xf32, #tpu.memory_space<hbm>>
    tpu.wait_indirect_dma semaphore(%arg13 : memref<!tpu.dma_semaphore, #tpu.memory_space<semaphore_mem>>) src(%dma_wait3A_35 : memref<8192x1024xf32, #tpu.memory_space<hbm>>) dst(%arg6 : memref<16x1024xf32, #tpu.memory_space<vmem>>)
    %dma_start3A_36 = arith.constant 96 : i32
    %dma_start3A_37 = tpu.memref_slice %arg5[%dma_start3A_36] : memref<512xi32, #tpu.memory_space<vmem>> -> memref<16xi32, #tpu.memory_space<vmem>>
    %dma_start3A_38 = arith.constant 0 : i32
    %dma_start3A_39 = arith.constant 0 : i32
    %dma_start3A_40 = tpu.memref_slice %arg3[%dma_start3A_38, %dma_start3A_39] : memref<8192x1024xf32, #tpu.memory_space<hbm>> -> memref<8192x1024xf32, #tpu.memory_space<hbm>>
    tpu.enqueue_indirect_dma source(%dma_start3A_40 : memref<8192x1024xf32, #tpu.memory_space<hbm>>) target(%arg12 : memref<16x1024xf32, #tpu.memory_space<vmem>>) offsets(%dma_start3A_37 : memref<16xi32, #tpu.memory_space<vmem>>) semaphore(%arg19 : memref<!tpu.dma_semaphore, #tpu.memory_space<semaphore_mem>>)
    %add3A_41 = arith.constant 0 : i32
    %add3A_42 = arith.addi %mul3A_2, %add3A_41 : i32
    %dma_start3A_43 = arith.constant 0 : i32
    %dma_start3A_44 = tpu.memref_slice %arg4[%add3A_42, %dma_start3A_43] : memref<16384x1024xf32, #tpu.memory_space<hbm>> -> memref<16x1024xf32, #tpu.memory_space<hbm>>
    %dma_start3A_45 = arith.constant 0 : i32
    %dma_start3A_46 = tpu.memref_slice %arg4[%add3A_42, %dma_start3A_45] : memref<16384x1024xf32, #tpu.memory_space<hbm>> -> memref<16x1024xf32, #tpu.memory_space<hbm>>
    tpu.enqueue_dma source(%arg6 : memref<16x1024xf32, #tpu.memory_space<vmem>>) target(%dma_start3A_46 : memref<16x1024xf32, #tpu.memory_space<hbm>>) target_semaphore(%arg20 : memref<!tpu.dma_semaphore, #tpu.memory_space<semaphore_mem>>)
    %dma_wait3A_47 = arith.constant 16 : i32
    %dma_wait3A_48 = tpu.memref_slice %arg5[%dma_wait3A_47] : memref<512xi32, #tpu.memory_space<vmem>> -> memref<16xi32, #tpu.memory_space<vmem>>
    %dma_wait3A_49 = arith.constant 0 : i32
    %dma_wait3A_50 = arith.constant 0 : i32
    %dma_wait3A_51 = tpu.memref_slice %arg3[%dma_wait3A_49, %dma_wait3A_50] : memref<8192x1024xf32, #tpu.memory_space<hbm>> -> memref<8192x1024xf32, #tpu.memory_space<hbm>>
    tpu.wait_indirect_dma semaphore(%arg14 : memref<!tpu.dma_semaphore, #tpu.memory_space<semaphore_mem>>) src(%dma_wait3A_51 : memref<8192x1024xf32, #tpu.memory_space<hbm>>) dst(%arg7 : memref<16x1024xf32, #tpu.memory_space<vmem>>)
    %dma_wait3A_52 = arith.constant 0 : i32
    %dma_wait3A_53 = tpu.memref_slice %arg4[%add3A_42, %dma_wait3A_52] : memref<16384x1024xf32, #tpu.memory_space<hbm>> -> memref<16x1024xf32, #tpu.memory_space<hbm>>
    %dma_wait3A_54 = arith.constant 0 : i32
    %dma_wait3A_55 = tpu.memref_slice %arg4[%add3A_42, %dma_wait3A_54] : memref<16384x1024xf32, #tpu.memory_space<hbm>> -> memref<16x1024xf32, #tpu.memory_space<hbm>>
    tpu.wait_dma2 semaphore(%arg20 : memref<!tpu.dma_semaphore, #tpu.memory_space<semaphore_mem>>) src(%arg6 : memref<16x1024xf32, #tpu.memory_space<vmem>>) dst(%dma_wait3A_55 : memref<16x1024xf32, #tpu.memory_space<hbm>>)
    %dma_start3A_56 = arith.constant 112 : i32
    %dma_start3A_57 = tpu.memref_slice %arg5[%dma_start3A_56] : memref<512xi32, #tpu.memory_space<vmem>> -> memref<16xi32, #tpu.memory_space<vmem>>
    %dma_start3A_58 = arith.constant 0 : i32
    %dma_start3A_59 = arith.constant 0 : i32
    %dma_start3A_60 = tpu.memref_slice %arg3[%dma_start3A_58, %dma_start3A_59] : memref<8192x1024xf32, #tpu.memory_space<hbm>> -> memref<8192x1024xf32, #tpu.memory_space<hbm>>
    tpu.enqueue_indirect_dma source(%dma_start3A_60 : memref<8192x1024xf32, #tpu.memory_space<hbm>>) target(%arg6 : memref<16x1024xf32, #tpu.memory_space<vmem>>) offsets(%dma_start3A_57 : memref<16xi32, #tpu.memory_space<vmem>>) semaphore(%arg13 : memref<!tpu.dma_semaphore, #tpu.memory_space<semaphore_mem>>)
    %add3A_61 = arith.constant 16 : i32
    %add3A_62 = arith.addi %mul3A_2, %add3A_61 : i32
    %dma_start3A_63 = arith.constant 0 : i32
    %dma_start3A_64 = tpu.memref_slice %arg4[%add3A_62, %dma_start3A_63] : memref<16384x1024xf32, #tpu.memory_space<hbm>> -> memref<16x1024xf32, #tpu.memory_space<hbm>>
    %dma_start3A_65 = arith.constant 0 : i32
    %dma_start3A_66 = tpu.memref_slice %arg4[%add3A_62, %dma_start3A_65] : memref<16384x1024xf32, #tpu.memory_space<hbm>> -> memref<16x1024xf32, #tpu.memory_space<hbm>>
    tpu.enqueue_dma source(%arg7 : memref<16x1024xf32, #tpu.memory_space<vmem>>) target(%dma_start3A_66 : memref<16x1024xf32, #tpu.memory_space<hbm>>) target_semaphore(%arg21 : memref<!tpu.dma_semaphore, #tpu.memory_space<semaphore_mem>>)
    %dma_wait3A_67 = arith.constant 32 : i32
    %dma_wait3A_68 = tpu.memref_slice %arg5[%dma_wait3A_67] : memref<512xi32, #tpu.memory_space<vmem>> -> memref<16xi32, #tpu.memory_space<vmem>>
    %dma_wait3A_69 = arith.constant 0 : i32
    %dma_wait3A_70 = arith.constant 0 : i32
    %dma_wait3A_71 = tpu.memref_slice %arg3[%dma_wait3A_69, %dma_wait3A_70] : memref<8192x1024xf32, #tpu.memory_space<hbm>> -> memref<8192x1024xf32, #tpu.memory_space<hbm>>
    tpu.wait_indirect_dma semaphore(%arg15 : memref<!tpu.dma_semaphore, #tpu.memory_space<semaphore_mem>>) src(%dma_wait3A_71 : memref<8192x1024xf32, #tpu.memory_space<hbm>>) dst(%arg8 : memref<16x1024xf32, #tpu.memory_space<vmem>>)
    %dma_wait3A_72 = arith.constant 0 : i32
    %dma_wait3A_73 = tpu.memref_slice %arg4[%add3A_62, %dma_wait3A_72] : memref<16384x1024xf32, #tpu.memory_space<hbm>> -> memref<16x1024xf32, #tpu.memory_space<hbm>>
    %dma_wait3A_74 = arith.constant 0 : i32
    %dma_wait3A_75 = tpu.memref_slice %arg4[%add3A_62, %dma_wait3A_74] : memref<16384x1024xf32, #tpu.memory_space<hbm>> -> memref<16x1024xf32, #tpu.memory_space<hbm>>
    tpu.wait_dma2 semaphore(%arg21 : memref<!tpu.dma_semaphore, #tpu.memory_space<semaphore_mem>>) src(%arg7 : memref<16x1024xf32, #tpu.memory_space<vmem>>) dst(%dma_wait3A_75 : memref<16x1024xf32, #tpu.memory_space<hbm>>)
    %dma_start3A_76 = arith.constant 128 : i32
    %dma_start3A_77 = tpu.memref_slice %arg5[%dma_start3A_76] : memref<512xi32, #tpu.memory_space<vmem>> -> memref<16xi32, #tpu.memory_space<vmem>>
    %dma_start3A_78 = arith.constant 0 : i32
    %dma_start3A_79 = arith.constant 0 : i32
    %dma_start3A_80 = tpu.memref_slice %arg3[%dma_start3A_78, %dma_start3A_79] : memref<8192x1024xf32, #tpu.memory_space<hbm>> -> memref<8192x1024xf32, #tpu.memory_space<hbm>>
    tpu.enqueue_indirect_dma source(%dma_start3A_80 : memref<8192x1024xf32, #tpu.memory_space<hbm>>) target(%arg7 : memref<16x1024xf32, #tpu.memory_space<vmem>>) offsets(%dma_start3A_77 : memref<16xi32, #tpu.memory_space<vmem>>) semaphore(%arg14 : memref<!tpu.dma_semaphore, #tpu.memory_space<semaphore_mem>>)
    %add3A_81 = arith.constant 32 : i32
    %add3A_82 = arith.addi %mul3A_2, %add3A_81 : i32
    %dma_start3A_83 = arith.constant 0 : i32
    %dma_start3A_84 = tpu.memref_slice %arg4[%add3A_82, %dma_start3A_83] : memref<16384x1024xf32, #tpu.memory_space<hbm>> -> memref<16x1024xf32, #tpu.memory_space<hbm>>
    %dma_start3A_85 = arith.constant 0 : i32
    %dma_start3A_86 = tpu.memref_slice %arg4[%add3A_82, %dma_start3A_85] : memref<16384x1024xf32, #tpu.memory_space<hbm>> -> memref<16x1024xf32, #tpu.memory_space<hbm>>
    tpu.enqueue_dma source(%arg8 : memref<16x1024xf32, #tpu.memory_space<vmem>>) target(%dma_start3A_86 : memref<16x1024xf32, #tpu.memory_space<hbm>>) target_semaphore(%arg22 : memref<!tpu.dma_semaphore, #tpu.memory_space<semaphore_mem>>)
    %dma_wait3A_87 = arith.constant 48 : i32
    %dma_wait3A_88 = tpu.memref_slice %arg5[%dma_wait3A_87] : memref<512xi32, #tpu.memory_space<vmem>> -> memref<16xi32, #tpu.memory_space<vmem>>
    %dma_wait3A_89 = arith.constant 0 : i32
    %dma_wait3A_90 = arith.constant 0 : i32
    %dma_wait3A_91 = tpu.memref_slice %arg3[%dma_wait3A_89, %dma_wait3A_90] : memref<8192x1024xf32, #tpu.memory_space<hbm>> -> memref<8192x1024xf32, #tpu.memory_space<hbm>>
    tpu.wait_indirect_dma semaphore(%arg16 : memref<!tpu.dma_semaphore, #tpu.memory_space<semaphore_mem>>) src(%dma_wait3A_91 : memref<8192x1024xf32, #tpu.memory_space<hbm>>) dst(%arg9 : memref<16x1024xf32, #tpu.memory_space<vmem>>)
    %dma_wait3A_92 = arith.constant 0 : i32
    %dma_wait3A_93 = tpu.memref_slice %arg4[%add3A_82, %dma_wait3A_92] : memref<16384x1024xf32, #tpu.memory_space<hbm>> -> memref<16x1024xf32, #tpu.memory_space<hbm>>
    %dma_wait3A_94 = arith.constant 0 : i32
    %dma_wait3A_95 = tpu.memref_slice %arg4[%add3A_82, %dma_wait3A_94] : memref<16384x1024xf32, #tpu.memory_space<hbm>> -> memref<16x1024xf32, #tpu.memory_space<hbm>>
    tpu.wait_dma2 semaphore(%arg22 : memref<!tpu.dma_semaphore, #tpu.memory_space<semaphore_mem>>) src(%arg8 : memref<16x1024xf32, #tpu.memory_space<vmem>>) dst(%dma_wait3A_95 : memref<16x1024xf32, #tpu.memory_space<hbm>>)
    %dma_start3A_96 = arith.constant 144 : i32
    %dma_start3A_97 = tpu.memref_slice %arg5[%dma_start3A_96] : memref<512xi32, #tpu.memory_space<vmem>> -> memref<16xi32, #tpu.memory_space<vmem>>
    %dma_start3A_98 = arith.constant 0 : i32
    %dma_start3A_99 = arith.constant 0 : i32
    %dma_start3A_100 = tpu.memref_slice %arg3[%dma_start3A_98, %dma_start3A_99] : memref<8192x1024xf32, #tpu.memory_space<hbm>> -> memref<8192x1024xf32, #tpu.memory_space<hbm>>
    tpu.enqueue_indirect_dma source(%dma_start3A_100 : memref<8192x1024xf32, #tpu.memory_space<hbm>>) target(%arg8 : memref<16x1024xf32, #tpu.memory_space<vmem>>) offsets(%dma_start3A_97 : memref<16xi32, #tpu.memory_space<vmem>>) semaphore(%arg15 : memref<!tpu.dma_semaphore, #tpu.memory_space<semaphore_mem>>)
    %add3A_101 = arith.constant 48 : i32
    %add3A_102 = arith.addi %mul3A_2, %add3A_101 : i32
    %dma_start3A_103 = arith.constant 0 : i32
    %dma_start3A_104 = tpu.memref_slice %arg4[%add3A_102, %dma_start3A_103] : memref<16384x1024xf32, #tpu.memory_space<hbm>> -> memref<16x1024xf32, #tpu.memory_space<hbm>>
    %dma_start3A_105 = arith.constant 0 : i32
    %dma_start3A_106 = tpu.memref_slice %arg4[%add3A_102, %dma_start3A_105] : memref<16384x1024xf32, #tpu.memory_space<hbm>> -> memref<16x1024xf32, #tpu.memory_space<hbm>>
    tpu.enqueue_dma source(%arg9 : memref<16x1024xf32, #tpu.memory_space<vmem>>) target(%dma_start3A_106 : memref<16x1024xf32, #tpu.memory_space<hbm>>) target_semaphore(%arg23 : memref<!tpu.dma_semaphore, #tpu.memory_space<semaphore_mem>>)
    %dma_wait3A_107 = arith.constant 64 : i32
    %dma_wait3A_108 = tpu.memref_slice %arg5[%dma_wait3A_107] : memref<512xi32, #tpu.memory_space<vmem>> -> memref<16xi32, #tpu.memory_space<vmem>>
    %dma_wait3A_109 = arith.constant 0 : i32
    %dma_wait3A_110 = arith.constant 0 : i32
    %dma_wait3A_111 = tpu.memref_slice %arg3[%dma_wait3A_109, %dma_wait3A_110] : memref<8192x1024xf32, #tpu.memory_space<hbm>> -> memref<8192x1024xf32, #tpu.memory_space<hbm>>
    tpu.wait_indirect_dma semaphore(%arg17 : memref<!tpu.dma_semaphore, #tpu.memory_space<semaphore_mem>>) src(%dma_wait3A_111 : memref<8192x1024xf32, #tpu.memory_space<hbm>>) dst(%arg10 : memref<16x1024xf32, #tpu.memory_space<vmem>>)
    %dma_wait3A_112 = arith.constant 0 : i32
    %dma_wait3A_113 = tpu.memref_slice %arg4[%add3A_102, %dma_wait3A_112] : memref<16384x1024xf32, #tpu.memory_space<hbm>> -> memref<16x1024xf32, #tpu.memory_space<hbm>>
    %dma_wait3A_114 = arith.constant 0 : i32
    %dma_wait3A_115 = tpu.memref_slice %arg4[%add3A_102, %dma_wait3A_114] : memref<16384x1024xf32, #tpu.memory_space<hbm>> -> memref<16x1024xf32, #tpu.memory_space<hbm>>
    tpu.wait_dma2 semaphore(%arg23 : memref<!tpu.dma_semaphore, #tpu.memory_space<semaphore_mem>>) src(%arg9 : memref<16x1024xf32, #tpu.memory_space<vmem>>) dst(%dma_wait3A_115 : memref<16x1024xf32, #tpu.memory_space<hbm>>)
    %dma_start3A_116 = arith.constant 160 : i32
    %dma_start3A_117 = tpu.memref_slice %arg5[%dma_start3A_116] : memref<512xi32, #tpu.memory_space<vmem>> -> memref<16xi32, #tpu.memory_space<vmem>>
    %dma_start3A_118 = arith.constant 0 : i32
    %dma_start3A_119 = arith.constant 0 : i32
    %dma_start3A_120 = tpu.memref_slice %arg3[%dma_start3A_118, %dma_start3A_119] : memref<8192x1024xf32, #tpu.memory_space<hbm>> -> memref<8192x1024xf32, #tpu.memory_space<hbm>>
    tpu.enqueue_indirect_dma source(%dma_start3A_120 : memref<8192x1024xf32, #tpu.memory_space<hbm>>) target(%arg9 : memref<16x1024xf32, #tpu.memory_space<vmem>>) offsets(%dma_start3A_117 : memref<16xi32, #tpu.memory_space<vmem>>) semaphore(%arg16 : memref<!tpu.dma_semaphore, #tpu.memory_space<semaphore_mem>>)
    %add3A_121 = arith.constant 64 : i32
    %add3A_122 = arith.addi %mul3A_2, %add3A_121 : i32
    %dma_start3A_123 = arith.constant 0 : i32
    %dma_start3A_124 = tpu.memref_slice %arg4[%add3A_122, %dma_start3A_123] : memref<16384x1024xf32, #tpu.memory_space<hbm>> -> memref<16x1024xf32, #tpu.memory_space<hbm>>
    %dma_start3A_125 = arith.constant 0 : i32
    %dma_start3A_126 = tpu.memref_slice %arg4[%add3A_122, %dma_start3A_125] : memref<16384x1024xf32, #tpu.memory_space<hbm>> -> memref<16x1024xf32, #tpu.memory_space<hbm>>
    tpu.enqueue_dma source(%arg10 : memref<16x1024xf32, #tpu.memory_space<vmem>>) target(%dma_start3A_126 : memref<16x1024xf32, #tpu.memory_space<hbm>>) target_semaphore(%arg24 : memref<!tpu.dma_semaphore, #tpu.memory_space<semaphore_mem>>)
    %dma_wait3A_127 = arith.constant 80 : i32
    %dma_wait3A_128 = tpu.memref_slice %arg5[%dma_wait3A_127] : memref<512xi32, #tpu.memory_space<vmem>> -> memref<16xi32, #tpu.memory_space<vmem>>
    %dma_wait3A_129 = arith.constant 0 : i32
    %dma_wait3A_130 = arith.constant 0 : i32
    %dma_wait3A_131 = tpu.memref_slice %arg3[%dma_wait3A_129, %dma_wait3A_130] : memref<8192x1024xf32, #tpu.memory_space<hbm>> -> memref<8192x1024xf32, #tpu.memory_space<hbm>>
    tpu.wait_indirect_dma semaphore(%arg18 : memref<!tpu.dma_semaphore, #tpu.memory_space<semaphore_mem>>) src(%dma_wait3A_131 : memref<8192x1024xf32, #tpu.memory_space<hbm>>) dst(%arg11 : memref<16x1024xf32, #tpu.memory_space<vmem>>)
    %dma_wait3A_132 = arith.constant 0 : i32
    %dma_wait3A_133 = tpu.memref_slice %arg4[%add3A_122, %dma_wait3A_132] : memref<16384x1024xf32, #tpu.memory_space<hbm>> -> memref<16x1024xf32, #tpu.memory_space<hbm>>
    %dma_wait3A_134 = arith.constant 0 : i32
    %dma_wait3A_135 = tpu.memref_slice %arg4[%add3A_122, %dma_wait3A_134] : memref<16384x1024xf32, #tpu.memory_space<hbm>> -> memref<16x1024xf32, #tpu.memory_space<hbm>>
    tpu.wait_dma2 semaphore(%arg24 : memref<!tpu.dma_semaphore, #tpu.memory_space<semaphore_mem>>) src(%arg10 : memref<16x1024xf32, #tpu.memory_space<vmem>>) dst(%dma_wait3A_135 : memref<16x1024xf32, #tpu.memory_space<hbm>>)
    %dma_start3A_136 = arith.constant 176 : i32
    %dma_start3A_137 = tpu.memref_slice %arg5[%dma_start3A_136] : memref<512xi32, #tpu.memory_space<vmem>> -> memref<16xi32, #tpu.memory_space<vmem>>
    %dma_start3A_138 = arith.constant 0 : i32
    %dma_start3A_139 = arith.constant 0 : i32
    %dma_start3A_140 = tpu.memref_slice %arg3[%dma_start3A_138, %dma_start3A_139] : memref<8192x1024xf32, #tpu.memory_space<hbm>> -> memref<8192x1024xf32, #tpu.memory_space<hbm>>
    tpu.enqueue_indirect_dma source(%dma_start3A_140 : memref<8192x1024xf32, #tpu.memory_space<hbm>>) target(%arg10 : memref<16x1024xf32, #tpu.memory_space<vmem>>) offsets(%dma_start3A_137 : memref<16xi32, #tpu.memory_space<vmem>>) semaphore(%arg17 : memref<!tpu.dma_semaphore, #tpu.memory_space<semaphore_mem>>)
    %add3A_141 = arith.constant 80 : i32
    %add3A_142 = arith.addi %mul3A_2, %add3A_141 : i32
    %dma_start3A_143 = arith.constant 0 : i32
    %dma_start3A_144 = tpu.memref_slice %arg4[%add3A_142, %dma_start3A_143] : memref<16384x1024xf32, #tpu.memory_space<hbm>> -> memref<16x1024xf32, #tpu.memory_space<hbm>>
    %dma_start3A_145 = arith.constant 0 : i32
    %dma_start3A_146 = tpu.memref_slice %arg4[%add3A_142, %dma_start3A_145] : memref<16384x1024xf32, #tpu.memory_space<hbm>> -> memref<16x1024xf32, #tpu.memory_space<hbm>>
    tpu.enqueue_dma source(%arg11 : memref<16x1024xf32, #tpu.memory_space<vmem>>) target(%dma_start3A_146 : memref<16x1024xf32, #tpu.memory_space<hbm>>) target_semaphore(%arg25 : memref<!tpu.dma_semaphore, #tpu.memory_space<semaphore_mem>>)
    %dma_wait3A_147 = arith.constant 96 : i32
    %dma_wait3A_148 = tpu.memref_slice %arg5[%dma_wait3A_147] : memref<512xi32, #tpu.memory_space<vmem>> -> memref<16xi32, #tpu.memory_space<vmem>>
    %dma_wait3A_149 = arith.constant 0 : i32
    %dma_wait3A_150 = arith.constant 0 : i32
    %dma_wait3A_151 = tpu.memref_slice %arg3[%dma_wait3A_149, %dma_wait3A_150] : memref<8192x1024xf32, #tpu.memory_space<hbm>> -> memref<8192x1024xf32, #tpu.memory_space<hbm>>
    tpu.wait_indirect_dma semaphore(%arg19 : memref<!tpu.dma_semaphore, #tpu.memory_space<semaphore_mem>>) src(%dma_wait3A_151 : memref<8192x1024xf32, #tpu.memory_space<hbm>>) dst(%arg12 : memref<16x1024xf32, #tpu.memory_space<vmem>>)
    %dma_wait3A_152 = arith.constant 0 : i32
    %dma_wait3A_153 = tpu.memref_slice %arg4[%add3A_142, %dma_wait3A_152] : memref<16384x1024xf32, #tpu.memory_space<hbm>> -> memref<16x1024xf32, #tpu.memory_space<hbm>>
    %dma_wait3A_154 = arith.constant 0 : i32
    %dma_wait3A_155 = tpu.memref_slice %arg4[%add3A_142, %dma_wait3A_154] : memref<16384x1024xf32, #tpu.memory_space<hbm>> -> memref<16x1024xf32, #tpu.memory_space<hbm>>
    tpu.wait_dma2 semaphore(%arg25 : memref<!tpu.dma_semaphore, #tpu.memory_space<semaphore_mem>>) src(%arg11 : memref<16x1024xf32, #tpu.memory_space<vmem>>) dst(%dma_wait3A_155 : memref<16x1024xf32, #tpu.memory_space<hbm>>)
    %dma_start3A_156 = arith.constant 192 : i32
    %dma_start3A_157 = tpu.memref_slice %arg5[%dma_start3A_156] : memref<512xi32, #tpu.memory_space<vmem>> -> memref<16xi32, #tpu.memory_space<vmem>>
    %dma_start3A_158 = arith.constant 0 : i32
    %dma_start3A_159 = arith.constant 0 : i32
    %dma_start3A_160 = tpu.memref_slice %arg3[%dma_start3A_158, %dma_start3A_159] : memref<8192x1024xf32, #tpu.memory_space<hbm>> -> memref<8192x1024xf32, #tpu.memory_space<hbm>>
    tpu.enqueue_indirect_dma source(%dma_start3A_160 : memref<8192x1024xf32, #tpu.memory_space<hbm>>) target(%arg11 : memref<16x1024xf32, #tpu.memory_space<vmem>>) offsets(%dma_start3A_157 : memref<16xi32, #tpu.memory_space<vmem>>) semaphore(%arg18 : memref<!tpu.dma_semaphore, #tpu.memory_space<semaphore_mem>>)
    %add3A_161 = arith.constant 96 : i32
    %add3A_162 = arith.addi %mul3A_2, %add3A_161 : i32
    %dma_start3A_163 = arith.constant 0 : i32
    %dma_start3A_164 = tpu.memref_slice %arg4[%add3A_162, %dma_start3A_163] : memref<16384x1024xf32, #tpu.memory_space<hbm>> -> memref<16x1024xf32, #tpu.memory_space<hbm>>
    %dma_start3A_165 = arith.constant 0 : i32
    %dma_start3A_166 = tpu.memref_slice %arg4[%add3A_162, %dma_start3A_165] : memref<16384x1024xf32, #tpu.memory_space<hbm>> -> memref<16x1024xf32, #tpu.memory_space<hbm>>
    tpu.enqueue_dma source(%arg12 : memref<16x1024xf32, #tpu.memory_space<vmem>>) target(%dma_start3A_166 : memref<16x1024xf32, #tpu.memory_space<hbm>>) target_semaphore(%arg26 : memref<!tpu.dma_semaphore, #tpu.memory_space<semaphore_mem>>)
    %dma_wait3A_167 = arith.constant 112 : i32
    %dma_wait3A_168 = tpu.memref_slice %arg5[%dma_wait3A_167] : memref<512xi32, #tpu.memory_space<vmem>> -> memref<16xi32, #tpu.memory_space<vmem>>
    %dma_wait3A_169 = arith.constant 0 : i32
    %dma_wait3A_170 = arith.constant 0 : i32
    %dma_wait3A_171 = tpu.memref_slice %arg3[%dma_wait3A_169, %dma_wait3A_170] : memref<8192x1024xf32, #tpu.memory_space<hbm>> -> memref<8192x1024xf32, #tpu.memory_space<hbm>>
    tpu.wait_indirect_dma semaphore(%arg13 : memref<!tpu.dma_semaphore, #tpu.memory_space<semaphore_mem>>) src(%dma_wait3A_171 : memref<8192x1024xf32, #tpu.memory_space<hbm>>) dst(%arg6 : memref<16x1024xf32, #tpu.memory_space<vmem>>)
    %dma_wait3A_172 = arith.constant 0 : i32
    %dma_wait3A_173 = tpu.memref_slice %arg4[%add3A_162, %dma_wait3A_172] : memref<16384x1024xf32, #tpu.memory_space<hbm>> -> memref<16x1024xf32, #tpu.memory_space<hbm>>
    %dma_wait3A_174 = arith.constant 0 : i32
    %dma_wait3A_175 = tpu.memref_slice %arg4[%add3A_162, %dma_wait3A_174] : memref<16384x1024xf32, #tpu.memory_space<hbm>> -> memref<16x1024xf32, #tpu.memory_space<hbm>>
    tpu.wait_dma2 semaphore(%arg26 : memref<!tpu.dma_semaphore, #tpu.memory_space<semaphore_mem>>) src(%arg12 : memref<16x1024xf32, #tpu.memory_space<vmem>>) dst(%dma_wait3A_175 : memref<16x1024xf32, #tpu.memory_space<hbm>>)
    %dma_start3A_176 = arith.constant 208 : i32
    %dma_start3A_177 = tpu.memref_slice %arg5[%dma_start3A_176] : memref<512xi32, #tpu.memory_space<vmem>> -> memref<16xi32, #tpu.memory_space<vmem>>
    %dma_start3A_178 = arith.constant 0 : i32
    %dma_start3A_179 = arith.constant 0 : i32
    %dma_start3A_180 = tpu.memref_slice %arg3[%dma_start3A_178, %dma_start3A_179] : memref<8192x1024xf32, #tpu.memory_space<hbm>> -> memref<8192x1024xf32, #tpu.memory_space<hbm>>
    tpu.enqueue_indirect_dma source(%dma_start3A_180 : memref<8192x1024xf32, #tpu.memory_space<hbm>>) target(%arg12 : memref<16x1024xf32, #tpu.memory_space<vmem>>) offsets(%dma_start3A_177 : memref<16xi32, #tpu.memory_space<vmem>>) semaphore(%arg19 : memref<!tpu.dma_semaphore, #tpu.memory_space<semaphore_mem>>)
    %add3A_181 = arith.constant 112 : i32
    %add3A_182 = arith.addi %mul3A_2, %add3A_181 : i32
    %dma_start3A_183 = arith.constant 0 : i32
    %dma_start3A_184 = tpu.memref_slice %arg4[%add3A_182, %dma_start3A_183] : memref<16384x1024xf32, #tpu.memory_space<hbm>> -> memref<16x1024xf32, #tpu.memory_space<hbm>>
    %dma_start3A_185 = arith.constant 0 : i32
    %dma_start3A_186 = tpu.memref_slice %arg4[%add3A_182, %dma_start3A_185] : memref<16384x1024xf32, #tpu.memory_space<hbm>> -> memref<16x1024xf32, #tpu.memory_space<hbm>>
    tpu.enqueue_dma source(%arg6 : memref<16x1024xf32, #tpu.memory_space<vmem>>) target(%dma_start3A_186 : memref<16x1024xf32, #tpu.memory_space<hbm>>) target_semaphore(%arg20 : memref<!tpu.dma_semaphore, #tpu.memory_space<semaphore_mem>>)
    %dma_wait3A_187 = arith.constant 128 : i32
    %dma_wait3A_188 = tpu.memref_slice %arg5[%dma_wait3A_187] : memref<512xi32, #tpu.memory_space<vmem>> -> memref<16xi32, #tpu.memory_space<vmem>>
    %dma_wait3A_189 = arith.constant 0 : i32
    %dma_wait3A_190 = arith.constant 0 : i32
    %dma_wait3A_191 = tpu.memref_slice %arg3[%dma_wait3A_189, %dma_wait3A_190] : memref<8192x1024xf32, #tpu.memory_space<hbm>> -> memref<8192x1024xf32, #tpu.memory_space<hbm>>
    tpu.wait_indirect_dma semaphore(%arg14 : memref<!tpu.dma_semaphore, #tpu.memory_space<semaphore_mem>>) src(%dma_wait3A_191 : memref<8192x1024xf32, #tpu.memory_space<hbm>>) dst(%arg7 : memref<16x1024xf32, #tpu.memory_space<vmem>>)
    %dma_wait3A_192 = arith.constant 0 : i32
    %dma_wait3A_193 = tpu.memref_slice %arg4[%add3A_182, %dma_wait3A_192] : memref<16384x1024xf32, #tpu.memory_space<hbm>> -> memref<16x1024xf32, #tpu.memory_space<hbm>>
    %dma_wait3A_194 = arith.constant 0 : i32
    %dma_wait3A_195 = tpu.memref_slice %arg4[%add3A_182, %dma_wait3A_194] : memref<16384x1024xf32, #tpu.memory_space<hbm>> -> memref<16x1024xf32, #tpu.memory_space<hbm>>
    tpu.wait_dma2 semaphore(%arg20 : memref<!tpu.dma_semaphore, #tpu.memory_space<semaphore_mem>>) src(%arg6 : memref<16x1024xf32, #tpu.memory_space<vmem>>) dst(%dma_wait3A_195 : memref<16x1024xf32, #tpu.memory_space<hbm>>)
    %dma_start3A_196 = arith.constant 224 : i32
    %dma_start3A_197 = tpu.memref_slice %arg5[%dma_start3A_196] : memref<512xi32, #tpu.memory_space<vmem>> -> memref<16xi32, #tpu.memory_space<vmem>>
    %dma_start3A_198 = arith.constant 0 : i32
    %dma_start3A_199 = arith.constant 0 : i32
    %dma_start3A_200 = tpu.memref_slice %arg3[%dma_start3A_198, %dma_start3A_199] : memref<8192x1024xf32, #tpu.memory_space<hbm>> -> memref<8192x1024xf32, #tpu.memory_space<hbm>>
    tpu.enqueue_indirect_dma source(%dma_start3A_200 : memref<8192x1024xf32, #tpu.memory_space<hbm>>) target(%arg6 : memref<16x1024xf32, #tpu.memory_space<vmem>>) offsets(%dma_start3A_197 : memref<16xi32, #tpu.memory_space<vmem>>) semaphore(%arg13 : memref<!tpu.dma_semaphore, #tpu.memory_space<semaphore_mem>>)
    %add3A_201 = arith.constant 128 : i32
    %add3A_202 = arith.addi %mul3A_2, %add3A_201 : i32
    %dma_start3A_203 = arith.constant 0 : i32
    %dma_start3A_204 = tpu.memref_slice %arg4[%add3A_202, %dma_start3A_203] : memref<16384x1024xf32, #tpu.memory_space<hbm>> -> memref<16x1024xf32, #tpu.memory_space<hbm>>
    %dma_start3A_205 = arith.constant 0 : i32
    %dma_start3A_206 = tpu.memref_slice %arg4[%add3A_202, %dma_start3A_205] : memref<16384x1024xf32, #tpu.memory_space<hbm>> -> memref<16x1024xf32, #tpu.memory_space<hbm>>
    tpu.enqueue_dma source(%arg7 : memref<16x1024xf32, #tpu.memory_space<vmem>>) target(%dma_start3A_206 : memref<16x1024xf32, #tpu.memory_space<hbm>>) target_semaphore(%arg21 : memref<!tpu.dma_semaphore, #tpu.memory_space<semaphore_mem>>)
    %dma_wait3A_207 = arith.constant 144 : i32
    %dma_wait3A_208 = tpu.memref_slice %arg5[%dma_wait3A_207] : memref<512xi32, #tpu.memory_space<vmem>> -> memref<16xi32, #tpu.memory_space<vmem>>
    %dma_wait3A_209 = arith.constant 0 : i32
    %dma_wait3A_210 = arith.constant 0 : i32
    %dma_wait3A_211 = tpu.memref_slice %arg3[%dma_wait3A_209, %dma_wait3A_210] : memref<8192x1024xf32, #tpu.memory_space<hbm>> -> memref<8192x1024xf32, #tpu.memory_space<hbm>>
    tpu.wait_indirect_dma semaphore(%arg15 : memref<!tpu.dma_semaphore, #tpu.memory_space<semaphore_mem>>) src(%dma_wait3A_211 : memref<8192x1024xf32, #tpu.memory_space<hbm>>) dst(%arg8 : memref<16x1024xf32, #tpu.memory_space<vmem>>)
    %dma_wait3A_212 = arith.constant 0 : i32
    %dma_wait3A_213 = tpu.memref_slice %arg4[%add3A_202, %dma_wait3A_212] : memref<16384x1024xf32, #tpu.memory_space<hbm>> -> memref<16x1024xf32, #tpu.memory_space<hbm>>
    %dma_wait3A_214 = arith.constant 0 : i32
    %dma_wait3A_215 = tpu.memref_slice %arg4[%add3A_202, %dma_wait3A_214] : memref<16384x1024xf32, #tpu.memory_space<hbm>> -> memref<16x1024xf32, #tpu.memory_space<hbm>>
    tpu.wait_dma2 semaphore(%arg21 : memref<!tpu.dma_semaphore, #tpu.memory_space<semaphore_mem>>) src(%arg7 : memref<16x1024xf32, #tpu.memory_space<vmem>>) dst(%dma_wait3A_215 : memref<16x1024xf32, #tpu.memory_space<hbm>>)
    %dma_start3A_216 = arith.constant 240 : i32
    %dma_start3A_217 = tpu.memref_slice %arg5[%dma_start3A_216] : memref<512xi32, #tpu.memory_space<vmem>> -> memref<16xi32, #tpu.memory_space<vmem>>
    %dma_start3A_218 = arith.constant 0 : i32
    %dma_start3A_219 = arith.constant 0 : i32
    %dma_start3A_220 = tpu.memref_slice %arg3[%dma_start3A_218, %dma_start3A_219] : memref<8192x1024xf32, #tpu.memory_space<hbm>> -> memref<8192x1024xf32, #tpu.memory_space<hbm>>
    tpu.enqueue_indirect_dma source(%dma_start3A_220 : memref<8192x1024xf32, #tpu.memory_space<hbm>>) target(%arg7 : memref<16x1024xf32, #tpu.memory_space<vmem>>) offsets(%dma_start3A_217 : memref<16xi32, #tpu.memory_space<vmem>>) semaphore(%arg14 : memref<!tpu.dma_semaphore, #tpu.memory_space<semaphore_mem>>)
    %add3A_221 = arith.constant 144 : i32
    %add3A_222 = arith.addi %mul3A_2, %add3A_221 : i32
    %dma_start3A_223 = arith.constant 0 : i32
    %dma_start3A_224 = tpu.memref_slice %arg4[%add3A_222, %dma_start3A_223] : memref<16384x1024xf32, #tpu.memory_space<hbm>> -> memref<16x1024xf32, #tpu.memory_space<hbm>>
    %dma_start3A_225 = arith.constant 0 : i32
    %dma_start3A_226 = tpu.memref_slice %arg4[%add3A_222, %dma_start3A_225] : memref<16384x1024xf32, #tpu.memory_space<hbm>> -> memref<16x1024xf32, #tpu.memory_space<hbm>>
    tpu.enqueue_dma source(%arg8 : memref<16x1024xf32, #tpu.memory_space<vmem>>) target(%dma_start3A_226 : memref<16x1024xf32, #tpu.memory_space<hbm>>) target_semaphore(%arg22 : memref<!tpu.dma_semaphore, #tpu.memory_space<semaphore_mem>>)
    %dma_wait3A_227 = arith.constant 160 : i32
    %dma_wait3A_228 = tpu.memref_slice %arg5[%dma_wait3A_227] : memref<512xi32, #tpu.memory_space<vmem>> -> memref<16xi32, #tpu.memory_space<vmem>>
    %dma_wait3A_229 = arith.constant 0 : i32
    %dma_wait3A_230 = arith.constant 0 : i32
    %dma_wait3A_231 = tpu.memref_slice %arg3[%dma_wait3A_229, %dma_wait3A_230] : memref<8192x1024xf32, #tpu.memory_space<hbm>> -> memref<8192x1024xf32, #tpu.memory_space<hbm>>
    tpu.wait_indirect_dma semaphore(%arg16 : memref<!tpu.dma_semaphore, #tpu.memory_space<semaphore_mem>>) src(%dma_wait3A_231 : memref<8192x1024xf32, #tpu.memory_space<hbm>>) dst(%arg9 : memref<16x1024xf32, #tpu.memory_space<vmem>>)
    %dma_wait3A_232 = arith.constant 0 : i32
    %dma_wait3A_233 = tpu.memref_slice %arg4[%add3A_222, %dma_wait3A_232] : memref<16384x1024xf32, #tpu.memory_space<hbm>> -> memref<16x1024xf32, #tpu.memory_space<hbm>>
    %dma_wait3A_234 = arith.constant 0 : i32
    %dma_wait3A_235 = tpu.memref_slice %arg4[%add3A_222, %dma_wait3A_234] : memref<16384x1024xf32, #tpu.memory_space<hbm>> -> memref<16x1024xf32, #tpu.memory_space<hbm>>
    tpu.wait_dma2 semaphore(%arg22 : memref<!tpu.dma_semaphore, #tpu.memory_space<semaphore_mem>>) src(%arg8 : memref<16x1024xf32, #tpu.memory_space<vmem>>) dst(%dma_wait3A_235 : memref<16x1024xf32, #tpu.memory_space<hbm>>)
    %dma_start3A_236 = arith.constant 256 : i32
    %dma_start3A_237 = tpu.memref_slice %arg5[%dma_start3A_236] : memref<512xi32, #tpu.memory_space<vmem>> -> memref<16xi32, #tpu.memory_space<vmem>>
    %dma_start3A_238 = arith.constant 0 : i32
    %dma_start3A_239 = arith.constant 0 : i32
    %dma_start3A_240 = tpu.memref_slice %arg3[%dma_start3A_238, %dma_start3A_239] : memref<8192x1024xf32, #tpu.memory_space<hbm>> -> memref<8192x1024xf32, #tpu.memory_space<hbm>>
    tpu.enqueue_indirect_dma source(%dma_start3A_240 : memref<8192x1024xf32, #tpu.memory_space<hbm>>) target(%arg8 : memref<16x1024xf32, #tpu.memory_space<vmem>>) offsets(%dma_start3A_237 : memref<16xi32, #tpu.memory_space<vmem>>) semaphore(%arg15 : memref<!tpu.dma_semaphore, #tpu.memory_space<semaphore_mem>>)
    %add3A_241 = arith.constant 160 : i32
    %add3A_242 = arith.addi %mul3A_2, %add3A_241 : i32
    %dma_start3A_243 = arith.constant 0 : i32
    %dma_start3A_244 = tpu.memref_slice %arg4[%add3A_242, %dma_start3A_243] : memref<16384x1024xf32, #tpu.memory_space<hbm>> -> memref<16x1024xf32, #tpu.memory_space<hbm>>
    %dma_start3A_245 = arith.constant 0 : i32
    %dma_start3A_246 = tpu.memref_slice %arg4[%add3A_242, %dma_start3A_245] : memref<16384x1024xf32, #tpu.memory_space<hbm>> -> memref<16x1024xf32, #tpu.memory_space<hbm>>
    tpu.enqueue_dma source(%arg9 : memref<16x1024xf32, #tpu.memory_space<vmem>>) target(%dma_start3A_246 : memref<16x1024xf32, #tpu.memory_space<hbm>>) target_semaphore(%arg23 : memref<!tpu.dma_semaphore, #tpu.memory_space<semaphore_mem>>)
    %dma_wait3A_247 = arith.constant 176 : i32
    %dma_wait3A_248 = tpu.memref_slice %arg5[%dma_wait3A_247] : memref<512xi32, #tpu.memory_space<vmem>> -> memref<16xi32, #tpu.memory_space<vmem>>
    %dma_wait3A_249 = arith.constant 0 : i32
    %dma_wait3A_250 = arith.constant 0 : i32
    %dma_wait3A_251 = tpu.memref_slice %arg3[%dma_wait3A_249, %dma_wait3A_250] : memref<8192x1024xf32, #tpu.memory_space<hbm>> -> memref<8192x1024xf32, #tpu.memory_space<hbm>>
    tpu.wait_indirect_dma semaphore(%arg17 : memref<!tpu.dma_semaphore, #tpu.memory_space<semaphore_mem>>) src(%dma_wait3A_251 : memref<8192x1024xf32, #tpu.memory_space<hbm>>) dst(%arg10 : memref<16x1024xf32, #tpu.memory_space<vmem>>)
    %dma_wait3A_252 = arith.constant 0 : i32
    %dma_wait3A_253 = tpu.memref_slice %arg4[%add3A_242, %dma_wait3A_252] : memref<16384x1024xf32, #tpu.memory_space<hbm>> -> memref<16x1024xf32, #tpu.memory_space<hbm>>
    %dma_wait3A_254 = arith.constant 0 : i32
    %dma_wait3A_255 = tpu.memref_slice %arg4[%add3A_242, %dma_wait3A_254] : memref<16384x1024xf32, #tpu.memory_space<hbm>> -> memref<16x1024xf32, #tpu.memory_space<hbm>>
    tpu.wait_dma2 semaphore(%arg23 : memref<!tpu.dma_semaphore, #tpu.memory_space<semaphore_mem>>) src(%arg9 : memref<16x1024xf32, #tpu.memory_space<vmem>>) dst(%dma_wait3A_255 : memref<16x1024xf32, #tpu.memory_space<hbm>>)
    %dma_start3A_256 = arith.constant 272 : i32
    %dma_start3A_257 = tpu.memref_slice %arg5[%dma_start3A_256] : memref<512xi32, #tpu.memory_space<vmem>> -> memref<16xi32, #tpu.memory_space<vmem>>
    %dma_start3A_258 = arith.constant 0 : i32
    %dma_start3A_259 = arith.constant 0 : i32
    %dma_start3A_260 = tpu.memref_slice %arg3[%dma_start3A_258, %dma_start3A_259] : memref<8192x1024xf32, #tpu.memory_space<hbm>> -> memref<8192x1024xf32, #tpu.memory_space<hbm>>
    tpu.enqueue_indirect_dma source(%dma_start3A_260 : memref<8192x1024xf32, #tpu.memory_space<hbm>>) target(%arg9 : memref<16x1024xf32, #tpu.memory_space<vmem>>) offsets(%dma_start3A_257 : memref<16xi32, #tpu.memory_space<vmem>>) semaphore(%arg16 : memref<!tpu.dma_semaphore, #tpu.memory_space<semaphore_mem>>)
    %add3A_261 = arith.constant 176 : i32
    %add3A_262 = arith.addi %mul3A_2, %add3A_261 : i32
    %dma_start3A_263 = arith.constant 0 : i32
    %dma_start3A_264 = tpu.memref_slice %arg4[%add3A_262, %dma_start3A_263] : memref<16384x1024xf32, #tpu.memory_space<hbm>> -> memref<16x1024xf32, #tpu.memory_space<hbm>>
    %dma_start3A_265 = arith.constant 0 : i32
    %dma_start3A_266 = tpu.memref_slice %arg4[%add3A_262, %dma_start3A_265] : memref<16384x1024xf32, #tpu.memory_space<hbm>> -> memref<16x1024xf32, #tpu.memory_space<hbm>>
    tpu.enqueue_dma source(%arg10 : memref<16x1024xf32, #tpu.memory_space<vmem>>) target(%dma_start3A_266 : memref<16x1024xf32, #tpu.memory_space<hbm>>) target_semaphore(%arg24 : memref<!tpu.dma_semaphore, #tpu.memory_space<semaphore_mem>>)
    %dma_wait3A_267 = arith.constant 192 : i32
    %dma_wait3A_268 = tpu.memref_slice %arg5[%dma_wait3A_267] : memref<512xi32, #tpu.memory_space<vmem>> -> memref<16xi32, #tpu.memory_space<vmem>>
    %dma_wait3A_269 = arith.constant 0 : i32
    %dma_wait3A_270 = arith.constant 0 : i32
    %dma_wait3A_271 = tpu.memref_slice %arg3[%dma_wait3A_269, %dma_wait3A_270] : memref<8192x1024xf32, #tpu.memory_space<hbm>> -> memref<8192x1024xf32, #tpu.memory_space<hbm>>
    tpu.wait_indirect_dma semaphore(%arg18 : memref<!tpu.dma_semaphore, #tpu.memory_space<semaphore_mem>>) src(%dma_wait3A_271 : memref<8192x1024xf32, #tpu.memory_space<hbm>>) dst(%arg11 : memref<16x1024xf32, #tpu.memory_space<vmem>>)
    %dma_wait3A_272 = arith.constant 0 : i32
    %dma_wait3A_273 = tpu.memref_slice %arg4[%add3A_262, %dma_wait3A_272] : memref<16384x1024xf32, #tpu.memory_space<hbm>> -> memref<16x1024xf32, #tpu.memory_space<hbm>>
    %dma_wait3A_274 = arith.constant 0 : i32
    %dma_wait3A_275 = tpu.memref_slice %arg4[%add3A_262, %dma_wait3A_274] : memref<16384x1024xf32, #tpu.memory_space<hbm>> -> memref<16x1024xf32, #tpu.memory_space<hbm>>
    tpu.wait_dma2 semaphore(%arg24 : memref<!tpu.dma_semaphore, #tpu.memory_space<semaphore_mem>>) src(%arg10 : memref<16x1024xf32, #tpu.memory_space<vmem>>) dst(%dma_wait3A_275 : memref<16x1024xf32, #tpu.memory_space<hbm>>)
    %dma_start3A_276 = arith.constant 288 : i32
    %dma_start3A_277 = tpu.memref_slice %arg5[%dma_start3A_276] : memref<512xi32, #tpu.memory_space<vmem>> -> memref<16xi32, #tpu.memory_space<vmem>>
    %dma_start3A_278 = arith.constant 0 : i32
    %dma_start3A_279 = arith.constant 0 : i32
    %dma_start3A_280 = tpu.memref_slice %arg3[%dma_start3A_278, %dma_start3A_279] : memref<8192x1024xf32, #tpu.memory_space<hbm>> -> memref<8192x1024xf32, #tpu.memory_space<hbm>>
    tpu.enqueue_indirect_dma source(%dma_start3A_280 : memref<8192x1024xf32, #tpu.memory_space<hbm>>) target(%arg10 : memref<16x1024xf32, #tpu.memory_space<vmem>>) offsets(%dma_start3A_277 : memref<16xi32, #tpu.memory_space<vmem>>) semaphore(%arg17 : memref<!tpu.dma_semaphore, #tpu.memory_space<semaphore_mem>>)
    %add3A_281 = arith.constant 192 : i32
    %add3A_282 = arith.addi %mul3A_2, %add3A_281 : i32
    %dma_start3A_283 = arith.constant 0 : i32
    %dma_start3A_284 = tpu.memref_slice %arg4[%add3A_282, %dma_start3A_283] : memref<16384x1024xf32, #tpu.memory_space<hbm>> -> memref<16x1024xf32, #tpu.memory_space<hbm>>
    %dma_start3A_285 = arith.constant 0 : i32
    %dma_start3A_286 = tpu.memref_slice %arg4[%add3A_282, %dma_start3A_285] : memref<16384x1024xf32, #tpu.memory_space<hbm>> -> memref<16x1024xf32, #tpu.memory_space<hbm>>
    tpu.enqueue_dma source(%arg11 : memref<16x1024xf32, #tpu.memory_space<vmem>>) target(%dma_start3A_286 : memref<16x1024xf32, #tpu.memory_space<hbm>>) target_semaphore(%arg25 : memref<!tpu.dma_semaphore, #tpu.memory_space<semaphore_mem>>)
    %dma_wait3A_287 = arith.constant 208 : i32
    %dma_wait3A_288 = tpu.memref_slice %arg5[%dma_wait3A_287] : memref<512xi32, #tpu.memory_space<vmem>> -> memref<16xi32, #tpu.memory_space<vmem>>
    %dma_wait3A_289 = arith.constant 0 : i32
    %dma_wait3A_290 = arith.constant 0 : i32
    %dma_wait3A_291 = tpu.memref_slice %arg3[%dma_wait3A_289, %dma_wait3A_290] : memref<8192x1024xf32, #tpu.memory_space<hbm>> -> memref<8192x1024xf32, #tpu.memory_space<hbm>>
    tpu.wait_indirect_dma semaphore(%arg19 : memref<!tpu.dma_semaphore, #tpu.memory_space<semaphore_mem>>) src(%dma_wait3A_291 : memref<8192x1024xf32, #tpu.memory_space<hbm>>) dst(%arg12 : memref<16x1024xf32, #tpu.memory_space<vmem>>)
    %dma_wait3A_292 = arith.constant 0 : i32
    %dma_wait3A_293 = tpu.memref_slice %arg4[%add3A_282, %dma_wait3A_292] : memref<16384x1024xf32, #tpu.memory_space<hbm>> -> memref<16x1024xf32, #tpu.memory_space<hbm>>
    %dma_wait3A_294 = arith.constant 0 : i32
    %dma_wait3A_295 = tpu.memref_slice %arg4[%add3A_282, %dma_wait3A_294] : memref<16384x1024xf32, #tpu.memory_space<hbm>> -> memref<16x1024xf32, #tpu.memory_space<hbm>>
    tpu.wait_dma2 semaphore(%arg25 : memref<!tpu.dma_semaphore, #tpu.memory_space<semaphore_mem>>) src(%arg11 : memref<16x1024xf32, #tpu.memory_space<vmem>>) dst(%dma_wait3A_295 : memref<16x1024xf32, #tpu.memory_space<hbm>>)
    %dma_start3A_296 = arith.constant 304 : i32
    %dma_start3A_297 = tpu.memref_slice %arg5[%dma_start3A_296] : memref<512xi32, #tpu.memory_space<vmem>> -> memref<16xi32, #tpu.memory_space<vmem>>
    %dma_start3A_298 = arith.constant 0 : i32
    %dma_start3A_299 = arith.constant 0 : i32
    %dma_start3A_300 = tpu.memref_slice %arg3[%dma_start3A_298, %dma_start3A_299] : memref<8192x1024xf32, #tpu.memory_space<hbm>> -> memref<8192x1024xf32, #tpu.memory_space<hbm>>
    tpu.enqueue_indirect_dma source(%dma_start3A_300 : memref<8192x1024xf32, #tpu.memory_space<hbm>>) target(%arg11 : memref<16x1024xf32, #tpu.memory_space<vmem>>) offsets(%dma_start3A_297 : memref<16xi32, #tpu.memory_space<vmem>>) semaphore(%arg18 : memref<!tpu.dma_semaphore, #tpu.memory_space<semaphore_mem>>)
    %add3A_301 = arith.constant 208 : i32
    %add3A_302 = arith.addi %mul3A_2, %add3A_301 : i32
    %dma_start3A_303 = arith.constant 0 : i32
    %dma_start3A_304 = tpu.memref_slice %arg4[%add3A_302, %dma_start3A_303] : memref<16384x1024xf32, #tpu.memory_space<hbm>> -> memref<16x1024xf32, #tpu.memory_space<hbm>>
    %dma_start3A_305 = arith.constant 0 : i32
    %dma_start3A_306 = tpu.memref_slice %arg4[%add3A_302, %dma_start3A_305] : memref<16384x1024xf32, #tpu.memory_space<hbm>> -> memref<16x1024xf32, #tpu.memory_space<hbm>>
    tpu.enqueue_dma source(%arg12 : memref<16x1024xf32, #tpu.memory_space<vmem>>) target(%dma_start3A_306 : memref<16x1024xf32, #tpu.memory_space<hbm>>) target_semaphore(%arg26 : memref<!tpu.dma_semaphore, #tpu.memory_space<semaphore_mem>>)
    %dma_wait3A_307 = arith.constant 224 : i32
    %dma_wait3A_308 = tpu.memref_slice %arg5[%dma_wait3A_307] : memref<512xi32, #tpu.memory_space<vmem>> -> memref<16xi32, #tpu.memory_space<vmem>>
    %dma_wait3A_309 = arith.constant 0 : i32
    %dma_wait3A_310 = arith.constant 0 : i32
    %dma_wait3A_311 = tpu.memref_slice %arg3[%dma_wait3A_309, %dma_wait3A_310] : memref<8192x1024xf32, #tpu.memory_space<hbm>> -> memref<8192x1024xf32, #tpu.memory_space<hbm>>
    tpu.wait_indirect_dma semaphore(%arg13 : memref<!tpu.dma_semaphore, #tpu.memory_space<semaphore_mem>>) src(%dma_wait3A_311 : memref<8192x1024xf32, #tpu.memory_space<hbm>>) dst(%arg6 : memref<16x1024xf32, #tpu.memory_space<vmem>>)
    %dma_wait3A_312 = arith.constant 0 : i32
    %dma_wait3A_313 = tpu.memref_slice %arg4[%add3A_302, %dma_wait3A_312] : memref<16384x1024xf32, #tpu.memory_space<hbm>> -> memref<16x1024xf32, #tpu.memory_space<hbm>>
    %dma_wait3A_314 = arith.constant 0 : i32
    %dma_wait3A_315 = tpu.memref_slice %arg4[%add3A_302, %dma_wait3A_314] : memref<16384x1024xf32, #tpu.memory_space<hbm>> -> memref<16x1024xf32, #tpu.memory_space<hbm>>
    tpu.wait_dma2 semaphore(%arg26 : memref<!tpu.dma_semaphore, #tpu.memory_space<semaphore_mem>>) src(%arg12 : memref<16x1024xf32, #tpu.memory_space<vmem>>) dst(%dma_wait3A_315 : memref<16x1024xf32, #tpu.memory_space<hbm>>)
    %dma_start3A_316 = arith.constant 320 : i32
    %dma_start3A_317 = tpu.memref_slice %arg5[%dma_start3A_316] : memref<512xi32, #tpu.memory_space<vmem>> -> memref<16xi32, #tpu.memory_space<vmem>>
    %dma_start3A_318 = arith.constant 0 : i32
    %dma_start3A_319 = arith.constant 0 : i32
    %dma_start3A_320 = tpu.memref_slice %arg3[%dma_start3A_318, %dma_start3A_319] : memref<8192x1024xf32, #tpu.memory_space<hbm>> -> memref<8192x1024xf32, #tpu.memory_space<hbm>>
    tpu.enqueue_indirect_dma source(%dma_start3A_320 : memref<8192x1024xf32, #tpu.memory_space<hbm>>) target(%arg12 : memref<16x1024xf32, #tpu.memory_space<vmem>>) offsets(%dma_start3A_317 : memref<16xi32, #tpu.memory_space<vmem>>) semaphore(%arg19 : memref<!tpu.dma_semaphore, #tpu.memory_space<semaphore_mem>>)
    %add3A_321 = arith.constant 224 : i32
    %add3A_322 = arith.addi %mul3A_2, %add3A_321 : i32
    %dma_start3A_323 = arith.constant 0 : i32
    %dma_start3A_324 = tpu.memref_slice %arg4[%add3A_322, %dma_start3A_323] : memref<16384x1024xf32, #tpu.memory_space<hbm>> -> memref<16x1024xf32, #tpu.memory_space<hbm>>
    %dma_start3A_325 = arith.constant 0 : i32
    %dma_start3A_326 = tpu.memref_slice %arg4[%add3A_322, %dma_start3A_325] : memref<16384x1024xf32, #tpu.memory_space<hbm>> -> memref<16x1024xf32, #tpu.memory_space<hbm>>
    tpu.enqueue_dma source(%arg6 : memref<16x1024xf32, #tpu.memory_space<vmem>>) target(%dma_start3A_326 : memref<16x1024xf32, #tpu.memory_space<hbm>>) target_semaphore(%arg20 : memref<!tpu.dma_semaphore, #tpu.memory_space<semaphore_mem>>)
    %dma_wait3A_327 = arith.constant 240 : i32
    %dma_wait3A_328 = tpu.memref_slice %arg5[%dma_wait3A_327] : memref<512xi32, #tpu.memory_space<vmem>> -> memref<16xi32, #tpu.memory_space<vmem>>
    %dma_wait3A_329 = arith.constant 0 : i32
    %dma_wait3A_330 = arith.constant 0 : i32
    %dma_wait3A_331 = tpu.memref_slice %arg3[%dma_wait3A_329, %dma_wait3A_330] : memref<8192x1024xf32, #tpu.memory_space<hbm>> -> memref<8192x1024xf32, #tpu.memory_space<hbm>>
    tpu.wait_indirect_dma semaphore(%arg14 : memref<!tpu.dma_semaphore, #tpu.memory_space<semaphore_mem>>) src(%dma_wait3A_331 : memref<8192x1024xf32, #tpu.memory_space<hbm>>) dst(%arg7 : memref<16x1024xf32, #tpu.memory_space<vmem>>)
    %dma_wait3A_332 = arith.constant 0 : i32
    %dma_wait3A_333 = tpu.memref_slice %arg4[%add3A_322, %dma_wait3A_332] : memref<16384x1024xf32, #tpu.memory_space<hbm>> -> memref<16x1024xf32, #tpu.memory_space<hbm>>
    %dma_wait3A_334 = arith.constant 0 : i32
    %dma_wait3A_335 = tpu.memref_slice %arg4[%add3A_322, %dma_wait3A_334] : memref<16384x1024xf32, #tpu.memory_space<hbm>> -> memref<16x1024xf32, #tpu.memory_space<hbm>>
    tpu.wait_dma2 semaphore(%arg20 : memref<!tpu.dma_semaphore, #tpu.memory_space<semaphore_mem>>) src(%arg6 : memref<16x1024xf32, #tpu.memory_space<vmem>>) dst(%dma_wait3A_335 : memref<16x1024xf32, #tpu.memory_space<hbm>>)
    %dma_start3A_336 = arith.constant 336 : i32
    %dma_start3A_337 = tpu.memref_slice %arg5[%dma_start3A_336] : memref<512xi32, #tpu.memory_space<vmem>> -> memref<16xi32, #tpu.memory_space<vmem>>
    %dma_start3A_338 = arith.constant 0 : i32
    %dma_start3A_339 = arith.constant 0 : i32
    %dma_start3A_340 = tpu.memref_slice %arg3[%dma_start3A_338, %dma_start3A_339] : memref<8192x1024xf32, #tpu.memory_space<hbm>> -> memref<8192x1024xf32, #tpu.memory_space<hbm>>
    tpu.enqueue_indirect_dma source(%dma_start3A_340 : memref<8192x1024xf32, #tpu.memory_space<hbm>>) target(%arg6 : memref<16x1024xf32, #tpu.memory_space<vmem>>) offsets(%dma_start3A_337 : memref<16xi32, #tpu.memory_space<vmem>>) semaphore(%arg13 : memref<!tpu.dma_semaphore, #tpu.memory_space<semaphore_mem>>)
    %add3A_341 = arith.constant 240 : i32
    %add3A_342 = arith.addi %mul3A_2, %add3A_341 : i32
    %dma_start3A_343 = arith.constant 0 : i32
    %dma_start3A_344 = tpu.memref_slice %arg4[%add3A_342, %dma_start3A_343] : memref<16384x1024xf32, #tpu.memory_space<hbm>> -> memref<16x1024xf32, #tpu.memory_space<hbm>>
    %dma_start3A_345 = arith.constant 0 : i32
    %dma_start3A_346 = tpu.memref_slice %arg4[%add3A_342, %dma_start3A_345] : memref<16384x1024xf32, #tpu.memory_space<hbm>> -> memref<16x1024xf32, #tpu.memory_space<hbm>>
    tpu.enqueue_dma source(%arg7 : memref<16x1024xf32, #tpu.memory_space<vmem>>) target(%dma_start3A_346 : memref<16x1024xf32, #tpu.memory_space<hbm>>) target_semaphore(%arg21 : memref<!tpu.dma_semaphore, #tpu.memory_space<semaphore_mem>>)
    %dma_wait3A_347 = arith.constant 256 : i32
    %dma_wait3A_348 = tpu.memref_slice %arg5[%dma_wait3A_347] : memref<512xi32, #tpu.memory_space<vmem>> -> memref<16xi32, #tpu.memory_space<vmem>>
    %dma_wait3A_349 = arith.constant 0 : i32
    %dma_wait3A_350 = arith.constant 0 : i32
    %dma_wait3A_351 = tpu.memref_slice %arg3[%dma_wait3A_349, %dma_wait3A_350] : memref<8192x1024xf32, #tpu.memory_space<hbm>> -> memref<8192x1024xf32, #tpu.memory_space<hbm>>
    tpu.wait_indirect_dma semaphore(%arg15 : memref<!tpu.dma_semaphore, #tpu.memory_space<semaphore_mem>>) src(%dma_wait3A_351 : memref<8192x1024xf32, #tpu.memory_space<hbm>>) dst(%arg8 : memref<16x1024xf32, #tpu.memory_space<vmem>>)
    %dma_wait3A_352 = arith.constant 0 : i32
    %dma_wait3A_353 = tpu.memref_slice %arg4[%add3A_342, %dma_wait3A_352] : memref<16384x1024xf32, #tpu.memory_space<hbm>> -> memref<16x1024xf32, #tpu.memory_space<hbm>>
    %dma_wait3A_354 = arith.constant 0 : i32
    %dma_wait3A_355 = tpu.memref_slice %arg4[%add3A_342, %dma_wait3A_354] : memref<16384x1024xf32, #tpu.memory_space<hbm>> -> memref<16x1024xf32, #tpu.memory_space<hbm>>
    tpu.wait_dma2 semaphore(%arg21 : memref<!tpu.dma_semaphore, #tpu.memory_space<semaphore_mem>>) src(%arg7 : memref<16x1024xf32, #tpu.memory_space<vmem>>) dst(%dma_wait3A_355 : memref<16x1024xf32, #tpu.memory_space<hbm>>)
    %dma_start3A_356 = arith.constant 352 : i32
    %dma_start3A_357 = tpu.memref_slice %arg5[%dma_start3A_356] : memref<512xi32, #tpu.memory_space<vmem>> -> memref<16xi32, #tpu.memory_space<vmem>>
    %dma_start3A_358 = arith.constant 0 : i32
    %dma_start3A_359 = arith.constant 0 : i32
    %dma_start3A_360 = tpu.memref_slice %arg3[%dma_start3A_358, %dma_start3A_359] : memref<8192x1024xf32, #tpu.memory_space<hbm>> -> memref<8192x1024xf32, #tpu.memory_space<hbm>>
    tpu.enqueue_indirect_dma source(%dma_start3A_360 : memref<8192x1024xf32, #tpu.memory_space<hbm>>) target(%arg7 : memref<16x1024xf32, #tpu.memory_space<vmem>>) offsets(%dma_start3A_357 : memref<16xi32, #tpu.memory_space<vmem>>) semaphore(%arg14 : memref<!tpu.dma_semaphore, #tpu.memory_space<semaphore_mem>>)
    %add3A_361 = arith.constant 256 : i32
    %add3A_362 = arith.addi %mul3A_2, %add3A_361 : i32
    %dma_start3A_363 = arith.constant 0 : i32
    %dma_start3A_364 = tpu.memref_slice %arg4[%add3A_362, %dma_start3A_363] : memref<16384x1024xf32, #tpu.memory_space<hbm>> -> memref<16x1024xf32, #tpu.memory_space<hbm>>
    %dma_start3A_365 = arith.constant 0 : i32
    %dma_start3A_366 = tpu.memref_slice %arg4[%add3A_362, %dma_start3A_365] : memref<16384x1024xf32, #tpu.memory_space<hbm>> -> memref<16x1024xf32, #tpu.memory_space<hbm>>
    tpu.enqueue_dma source(%arg8 : memref<16x1024xf32, #tpu.memory_space<vmem>>) target(%dma_start3A_366 : memref<16x1024xf32, #tpu.memory_space<hbm>>) target_semaphore(%arg22 : memref<!tpu.dma_semaphore, #tpu.memory_space<semaphore_mem>>)
    %dma_wait3A_367 = arith.constant 272 : i32
    %dma_wait3A_368 = tpu.memref_slice %arg5[%dma_wait3A_367] : memref<512xi32, #tpu.memory_space<vmem>> -> memref<16xi32, #tpu.memory_space<vmem>>
    %dma_wait3A_369 = arith.constant 0 : i32
    %dma_wait3A_370 = arith.constant 0 : i32
    %dma_wait3A_371 = tpu.memref_slice %arg3[%dma_wait3A_369, %dma_wait3A_370] : memref<8192x1024xf32, #tpu.memory_space<hbm>> -> memref<8192x1024xf32, #tpu.memory_space<hbm>>
    tpu.wait_indirect_dma semaphore(%arg16 : memref<!tpu.dma_semaphore, #tpu.memory_space<semaphore_mem>>) src(%dma_wait3A_371 : memref<8192x1024xf32, #tpu.memory_space<hbm>>) dst(%arg9 : memref<16x1024xf32, #tpu.memory_space<vmem>>)
    %dma_wait3A_372 = arith.constant 0 : i32
    %dma_wait3A_373 = tpu.memref_slice %arg4[%add3A_362, %dma_wait3A_372] : memref<16384x1024xf32, #tpu.memory_space<hbm>> -> memref<16x1024xf32, #tpu.memory_space<hbm>>
    %dma_wait3A_374 = arith.constant 0 : i32
    %dma_wait3A_375 = tpu.memref_slice %arg4[%add3A_362, %dma_wait3A_374] : memref<16384x1024xf32, #tpu.memory_space<hbm>> -> memref<16x1024xf32, #tpu.memory_space<hbm>>
    tpu.wait_dma2 semaphore(%arg22 : memref<!tpu.dma_semaphore, #tpu.memory_space<semaphore_mem>>) src(%arg8 : memref<16x1024xf32, #tpu.memory_space<vmem>>) dst(%dma_wait3A_375 : memref<16x1024xf32, #tpu.memory_space<hbm>>)
    %dma_start3A_376 = arith.constant 368 : i32
    %dma_start3A_377 = tpu.memref_slice %arg5[%dma_start3A_376] : memref<512xi32, #tpu.memory_space<vmem>> -> memref<16xi32, #tpu.memory_space<vmem>>
    %dma_start3A_378 = arith.constant 0 : i32
    %dma_start3A_379 = arith.constant 0 : i32
    %dma_start3A_380 = tpu.memref_slice %arg3[%dma_start3A_378, %dma_start3A_379] : memref<8192x1024xf32, #tpu.memory_space<hbm>> -> memref<8192x1024xf32, #tpu.memory_space<hbm>>
    tpu.enqueue_indirect_dma source(%dma_start3A_380 : memref<8192x1024xf32, #tpu.memory_space<hbm>>) target(%arg8 : memref<16x1024xf32, #tpu.memory_space<vmem>>) offsets(%dma_start3A_377 : memref<16xi32, #tpu.memory_space<vmem>>) semaphore(%arg15 : memref<!tpu.dma_semaphore, #tpu.memory_space<semaphore_mem>>)
    %add3A_381 = arith.constant 272 : i32
    %add3A_382 = arith.addi %mul3A_2, %add3A_381 : i32
    %dma_start3A_383 = arith.constant 0 : i32
    %dma_start3A_384 = tpu.memref_slice %arg4[%add3A_382, %dma_start3A_383] : memref<16384x1024xf32, #tpu.memory_space<hbm>> -> memref<16x1024xf32, #tpu.memory_space<hbm>>
    %dma_start3A_385 = arith.constant 0 : i32
    %dma_start3A_386 = tpu.memref_slice %arg4[%add3A_382, %dma_start3A_385] : memref<16384x1024xf32, #tpu.memory_space<hbm>> -> memref<16x1024xf32, #tpu.memory_space<hbm>>
    tpu.enqueue_dma source(%arg9 : memref<16x1024xf32, #tpu.memory_space<vmem>>) target(%dma_start3A_386 : memref<16x1024xf32, #tpu.memory_space<hbm>>) target_semaphore(%arg23 : memref<!tpu.dma_semaphore, #tpu.memory_space<semaphore_mem>>)
    %dma_wait3A_387 = arith.constant 288 : i32
    %dma_wait3A_388 = tpu.memref_slice %arg5[%dma_wait3A_387] : memref<512xi32, #tpu.memory_space<vmem>> -> memref<16xi32, #tpu.memory_space<vmem>>
    %dma_wait3A_389 = arith.constant 0 : i32
    %dma_wait3A_390 = arith.constant 0 : i32
    %dma_wait3A_391 = tpu.memref_slice %arg3[%dma_wait3A_389, %dma_wait3A_390] : memref<8192x1024xf32, #tpu.memory_space<hbm>> -> memref<8192x1024xf32, #tpu.memory_space<hbm>>
    tpu.wait_indirect_dma semaphore(%arg17 : memref<!tpu.dma_semaphore, #tpu.memory_space<semaphore_mem>>) src(%dma_wait3A_391 : memref<8192x1024xf32, #tpu.memory_space<hbm>>) dst(%arg10 : memref<16x1024xf32, #tpu.memory_space<vmem>>)
    %dma_wait3A_392 = arith.constant 0 : i32
    %dma_wait3A_393 = tpu.memref_slice %arg4[%add3A_382, %dma_wait3A_392] : memref<16384x1024xf32, #tpu.memory_space<hbm>> -> memref<16x1024xf32, #tpu.memory_space<hbm>>
    %dma_wait3A_394 = arith.constant 0 : i32
    %dma_wait3A_395 = tpu.memref_slice %arg4[%add3A_382, %dma_wait3A_394] : memref<16384x1024xf32, #tpu.memory_space<hbm>> -> memref<16x1024xf32, #tpu.memory_space<hbm>>
    tpu.wait_dma2 semaphore(%arg23 : memref<!tpu.dma_semaphore, #tpu.memory_space<semaphore_mem>>) src(%arg9 : memref<16x1024xf32, #tpu.memory_space<vmem>>) dst(%dma_wait3A_395 : memref<16x1024xf32, #tpu.memory_space<hbm>>)
    %dma_start3A_396 = arith.constant 384 : i32
    %dma_start3A_397 = tpu.memref_slice %arg5[%dma_start3A_396] : memref<512xi32, #tpu.memory_space<vmem>> -> memref<16xi32, #tpu.memory_space<vmem>>
    %dma_start3A_398 = arith.constant 0 : i32
    %dma_start3A_399 = arith.constant 0 : i32
    %dma_start3A_400 = tpu.memref_slice %arg3[%dma_start3A_398, %dma_start3A_399] : memref<8192x1024xf32, #tpu.memory_space<hbm>> -> memref<8192x1024xf32, #tpu.memory_space<hbm>>
    tpu.enqueue_indirect_dma source(%dma_start3A_400 : memref<8192x1024xf32, #tpu.memory_space<hbm>>) target(%arg9 : memref<16x1024xf32, #tpu.memory_space<vmem>>) offsets(%dma_start3A_397 : memref<16xi32, #tpu.memory_space<vmem>>) semaphore(%arg16 : memref<!tpu.dma_semaphore, #tpu.memory_space<semaphore_mem>>)
    %add3A_401 = arith.constant 288 : i32
    %add3A_402 = arith.addi %mul3A_2, %add3A_401 : i32
    %dma_start3A_403 = arith.constant 0 : i32
    %dma_start3A_404 = tpu.memref_slice %arg4[%add3A_402, %dma_start3A_403] : memref<16384x1024xf32, #tpu.memory_space<hbm>> -> memref<16x1024xf32, #tpu.memory_space<hbm>>
    %dma_start3A_405 = arith.constant 0 : i32
    %dma_start3A_406 = tpu.memref_slice %arg4[%add3A_402, %dma_start3A_405] : memref<16384x1024xf32, #tpu.memory_space<hbm>> -> memref<16x1024xf32, #tpu.memory_space<hbm>>
    tpu.enqueue_dma source(%arg10 : memref<16x1024xf32, #tpu.memory_space<vmem>>) target(%dma_start3A_406 : memref<16x1024xf32, #tpu.memory_space<hbm>>) target_semaphore(%arg24 : memref<!tpu.dma_semaphore, #tpu.memory_space<semaphore_mem>>)
    %dma_wait3A_407 = arith.constant 304 : i32
    %dma_wait3A_408 = tpu.memref_slice %arg5[%dma_wait3A_407] : memref<512xi32, #tpu.memory_space<vmem>> -> memref<16xi32, #tpu.memory_space<vmem>>
    %dma_wait3A_409 = arith.constant 0 : i32
    %dma_wait3A_410 = arith.constant 0 : i32
    %dma_wait3A_411 = tpu.memref_slice %arg3[%dma_wait3A_409, %dma_wait3A_410] : memref<8192x1024xf32, #tpu.memory_space<hbm>> -> memref<8192x1024xf32, #tpu.memory_space<hbm>>
    tpu.wait_indirect_dma semaphore(%arg18 : memref<!tpu.dma_semaphore, #tpu.memory_space<semaphore_mem>>) src(%dma_wait3A_411 : memref<8192x1024xf32, #tpu.memory_space<hbm>>) dst(%arg11 : memref<16x1024xf32, #tpu.memory_space<vmem>>)
    %dma_wait3A_412 = arith.constant 0 : i32
    %dma_wait3A_413 = tpu.memref_slice %arg4[%add3A_402, %dma_wait3A_412] : memref<16384x1024xf32, #tpu.memory_space<hbm>> -> memref<16x1024xf32, #tpu.memory_space<hbm>>
    %dma_wait3A_414 = arith.constant 0 : i32
    %dma_wait3A_415 = tpu.memref_slice %arg4[%add3A_402, %dma_wait3A_414] : memref<16384x1024xf32, #tpu.memory_space<hbm>> -> memref<16x1024xf32, #tpu.memory_space<hbm>>
    tpu.wait_dma2 semaphore(%arg24 : memref<!tpu.dma_semaphore, #tpu.memory_space<semaphore_mem>>) src(%arg10 : memref<16x1024xf32, #tpu.memory_space<vmem>>) dst(%dma_wait3A_415 : memref<16x1024xf32, #tpu.memory_space<hbm>>)
    %dma_start3A_416 = arith.constant 400 : i32
    %dma_start3A_417 = tpu.memref_slice %arg5[%dma_start3A_416] : memref<512xi32, #tpu.memory_space<vmem>> -> memref<16xi32, #tpu.memory_space<vmem>>
    %dma_start3A_418 = arith.constant 0 : i32
    %dma_start3A_419 = arith.constant 0 : i32
    %dma_start3A_420 = tpu.memref_slice %arg3[%dma_start3A_418, %dma_start3A_419] : memref<8192x1024xf32, #tpu.memory_space<hbm>> -> memref<8192x1024xf32, #tpu.memory_space<hbm>>
    tpu.enqueue_indirect_dma source(%dma_start3A_420 : memref<8192x1024xf32, #tpu.memory_space<hbm>>) target(%arg10 : memref<16x1024xf32, #tpu.memory_space<vmem>>) offsets(%dma_start3A_417 : memref<16xi32, #tpu.memory_space<vmem>>) semaphore(%arg17 : memref<!tpu.dma_semaphore, #tpu.memory_space<semaphore_mem>>)
    %add3A_421 = arith.constant 304 : i32
    %add3A_422 = arith.addi %mul3A_2, %add3A_421 : i32
    %dma_start3A_423 = arith.constant 0 : i32
    %dma_start3A_424 = tpu.memref_slice %arg4[%add3A_422, %dma_start3A_423] : memref<16384x1024xf32, #tpu.memory_space<hbm>> -> memref<16x1024xf32, #tpu.memory_space<hbm>>
    %dma_start3A_425 = arith.constant 0 : i32
    %dma_start3A_426 = tpu.memref_slice %arg4[%add3A_422, %dma_start3A_425] : memref<16384x1024xf32, #tpu.memory_space<hbm>> -> memref<16x1024xf32, #tpu.memory_space<hbm>>
    tpu.enqueue_dma source(%arg11 : memref<16x1024xf32, #tpu.memory_space<vmem>>) target(%dma_start3A_426 : memref<16x1024xf32, #tpu.memory_space<hbm>>) target_semaphore(%arg25 : memref<!tpu.dma_semaphore, #tpu.memory_space<semaphore_mem>>)
    %dma_wait3A_427 = arith.constant 320 : i32
    %dma_wait3A_428 = tpu.memref_slice %arg5[%dma_wait3A_427] : memref<512xi32, #tpu.memory_space<vmem>> -> memref<16xi32, #tpu.memory_space<vmem>>
    %dma_wait3A_429 = arith.constant 0 : i32
    %dma_wait3A_430 = arith.constant 0 : i32
    %dma_wait3A_431 = tpu.memref_slice %arg3[%dma_wait3A_429, %dma_wait3A_430] : memref<8192x1024xf32, #tpu.memory_space<hbm>> -> memref<8192x1024xf32, #tpu.memory_space<hbm>>
    tpu.wait_indirect_dma semaphore(%arg19 : memref<!tpu.dma_semaphore, #tpu.memory_space<semaphore_mem>>) src(%dma_wait3A_431 : memref<8192x1024xf32, #tpu.memory_space<hbm>>) dst(%arg12 : memref<16x1024xf32, #tpu.memory_space<vmem>>)
    %dma_wait3A_432 = arith.constant 0 : i32
    %dma_wait3A_433 = tpu.memref_slice %arg4[%add3A_422, %dma_wait3A_432] : memref<16384x1024xf32, #tpu.memory_space<hbm>> -> memref<16x1024xf32, #tpu.memory_space<hbm>>
    %dma_wait3A_434 = arith.constant 0 : i32
    %dma_wait3A_435 = tpu.memref_slice %arg4[%add3A_422, %dma_wait3A_434] : memref<16384x1024xf32, #tpu.memory_space<hbm>> -> memref<16x1024xf32, #tpu.memory_space<hbm>>
    tpu.wait_dma2 semaphore(%arg25 : memref<!tpu.dma_semaphore, #tpu.memory_space<semaphore_mem>>) src(%arg11 : memref<16x1024xf32, #tpu.memory_space<vmem>>) dst(%dma_wait3A_435 : memref<16x1024xf32, #tpu.memory_space<hbm>>)
    %dma_start3A_436 = arith.constant 416 : i32
    %dma_start3A_437 = tpu.memref_slice %arg5[%dma_start3A_436] : memref<512xi32, #tpu.memory_space<vmem>> -> memref<16xi32, #tpu.memory_space<vmem>>
    %dma_start3A_438 = arith.constant 0 : i32
    %dma_start3A_439 = arith.constant 0 : i32
    %dma_start3A_440 = tpu.memref_slice %arg3[%dma_start3A_438, %dma_start3A_439] : memref<8192x1024xf32, #tpu.memory_space<hbm>> -> memref<8192x1024xf32, #tpu.memory_space<hbm>>
    tpu.enqueue_indirect_dma source(%dma_start3A_440 : memref<8192x1024xf32, #tpu.memory_space<hbm>>) target(%arg11 : memref<16x1024xf32, #tpu.memory_space<vmem>>) offsets(%dma_start3A_437 : memref<16xi32, #tpu.memory_space<vmem>>) semaphore(%arg18 : memref<!tpu.dma_semaphore, #tpu.memory_space<semaphore_mem>>)
    %add3A_441 = arith.constant 320 : i32
    %add3A_442 = arith.addi %mul3A_2, %add3A_441 : i32
    %dma_start3A_443 = arith.constant 0 : i32
    %dma_start3A_444 = tpu.memref_slice %arg4[%add3A_442, %dma_start3A_443] : memref<16384x1024xf32, #tpu.memory_space<hbm>> -> memref<16x1024xf32, #tpu.memory_space<hbm>>
    %dma_start3A_445 = arith.constant 0 : i32
    %dma_start3A_446 = tpu.memref_slice %arg4[%add3A_442, %dma_start3A_445] : memref<16384x1024xf32, #tpu.memory_space<hbm>> -> memref<16x1024xf32, #tpu.memory_space<hbm>>
    tpu.enqueue_dma source(%arg12 : memref<16x1024xf32, #tpu.memory_space<vmem>>) target(%dma_start3A_446 : memref<16x1024xf32, #tpu.memory_space<hbm>>) target_semaphore(%arg26 : memref<!tpu.dma_semaphore, #tpu.memory_space<semaphore_mem>>)
    %dma_wait3A_447 = arith.constant 336 : i32
    %dma_wait3A_448 = tpu.memref_slice %arg5[%dma_wait3A_447] : memref<512xi32, #tpu.memory_space<vmem>> -> memref<16xi32, #tpu.memory_space<vmem>>
    %dma_wait3A_449 = arith.constant 0 : i32
    %dma_wait3A_450 = arith.constant 0 : i32
    %dma_wait3A_451 = tpu.memref_slice %arg3[%dma_wait3A_449, %dma_wait3A_450] : memref<8192x1024xf32, #tpu.memory_space<hbm>> -> memref<8192x1024xf32, #tpu.memory_space<hbm>>
    tpu.wait_indirect_dma semaphore(%arg13 : memref<!tpu.dma_semaphore, #tpu.memory_space<semaphore_mem>>) src(%dma_wait3A_451 : memref<8192x1024xf32, #tpu.memory_space<hbm>>) dst(%arg6 : memref<16x1024xf32, #tpu.memory_space<vmem>>)
    %dma_wait3A_452 = arith.constant 0 : i32
    %dma_wait3A_453 = tpu.memref_slice %arg4[%add3A_442, %dma_wait3A_452] : memref<16384x1024xf32, #tpu.memory_space<hbm>> -> memref<16x1024xf32, #tpu.memory_space<hbm>>
    %dma_wait3A_454 = arith.constant 0 : i32
    %dma_wait3A_455 = tpu.memref_slice %arg4[%add3A_442, %dma_wait3A_454] : memref<16384x1024xf32, #tpu.memory_space<hbm>> -> memref<16x1024xf32, #tpu.memory_space<hbm>>
    tpu.wait_dma2 semaphore(%arg26 : memref<!tpu.dma_semaphore, #tpu.memory_space<semaphore_mem>>) src(%arg12 : memref<16x1024xf32, #tpu.memory_space<vmem>>) dst(%dma_wait3A_455 : memref<16x1024xf32, #tpu.memory_space<hbm>>)
    %dma_start3A_456 = arith.constant 432 : i32
    %dma_start3A_457 = tpu.memref_slice %arg5[%dma_start3A_456] : memref<512xi32, #tpu.memory_space<vmem>> -> memref<16xi32, #tpu.memory_space<vmem>>
    %dma_start3A_458 = arith.constant 0 : i32
    %dma_start3A_459 = arith.constant 0 : i32
    %dma_start3A_460 = tpu.memref_slice %arg3[%dma_start3A_458, %dma_start3A_459] : memref<8192x1024xf32, #tpu.memory_space<hbm>> -> memref<8192x1024xf32, #tpu.memory_space<hbm>>
    tpu.enqueue_indirect_dma source(%dma_start3A_460 : memref<8192x1024xf32, #tpu.memory_space<hbm>>) target(%arg12 : memref<16x1024xf32, #tpu.memory_space<vmem>>) offsets(%dma_start3A_457 : memref<16xi32, #tpu.memory_space<vmem>>) semaphore(%arg19 : memref<!tpu.dma_semaphore, #tpu.memory_space<semaphore_mem>>)
    %add3A_461 = arith.constant 336 : i32
    %add3A_462 = arith.addi %mul3A_2, %add3A_461 : i32
    %dma_start3A_463 = arith.constant 0 : i32
    %dma_start3A_464 = tpu.memref_slice %arg4[%add3A_462, %dma_start3A_463] : memref<16384x1024xf32, #tpu.memory_space<hbm>> -> memref<16x1024xf32, #tpu.memory_space<hbm>>
    %dma_start3A_465 = arith.constant 0 : i32
    %dma_start3A_466 = tpu.memref_slice %arg4[%add3A_462, %dma_start3A_465] : memref<16384x1024xf32, #tpu.memory_space<hbm>> -> memref<16x1024xf32, #tpu.memory_space<hbm>>
    tpu.enqueue_dma source(%arg6 : memref<16x1024xf32, #tpu.memory_space<vmem>>) target(%dma_start3A_466 : memref<16x1024xf32, #tpu.memory_space<hbm>>) target_semaphore(%arg20 : memref<!tpu.dma_semaphore, #tpu.memory_space<semaphore_mem>>)
    %dma_wait3A_467 = arith.constant 352 : i32
    %dma_wait3A_468 = tpu.memref_slice %arg5[%dma_wait3A_467] : memref<512xi32, #tpu.memory_space<vmem>> -> memref<16xi32, #tpu.memory_space<vmem>>
    %dma_wait3A_469 = arith.constant 0 : i32
    %dma_wait3A_470 = arith.constant 0 : i32
    %dma_wait3A_471 = tpu.memref_slice %arg3[%dma_wait3A_469, %dma_wait3A_470] : memref<8192x1024xf32, #tpu.memory_space<hbm>> -> memref<8192x1024xf32, #tpu.memory_space<hbm>>
    tpu.wait_indirect_dma semaphore(%arg14 : memref<!tpu.dma_semaphore, #tpu.memory_space<semaphore_mem>>) src(%dma_wait3A_471 : memref<8192x1024xf32, #tpu.memory_space<hbm>>) dst(%arg7 : memref<16x1024xf32, #tpu.memory_space<vmem>>)
    %dma_wait3A_472 = arith.constant 0 : i32
    %dma_wait3A_473 = tpu.memref_slice %arg4[%add3A_462, %dma_wait3A_472] : memref<16384x1024xf32, #tpu.memory_space<hbm>> -> memref<16x1024xf32, #tpu.memory_space<hbm>>
    %dma_wait3A_474 = arith.constant 0 : i32
    %dma_wait3A_475 = tpu.memref_slice %arg4[%add3A_462, %dma_wait3A_474] : memref<16384x1024xf32, #tpu.memory_space<hbm>> -> memref<16x1024xf32, #tpu.memory_space<hbm>>
    tpu.wait_dma2 semaphore(%arg20 : memref<!tpu.dma_semaphore, #tpu.memory_space<semaphore_mem>>) src(%arg6 : memref<16x1024xf32, #tpu.memory_space<vmem>>) dst(%dma_wait3A_475 : memref<16x1024xf32, #tpu.memory_space<hbm>>)
    %dma_start3A_476 = arith.constant 448 : i32
    %dma_start3A_477 = tpu.memref_slice %arg5[%dma_start3A_476] : memref<512xi32, #tpu.memory_space<vmem>> -> memref<16xi32, #tpu.memory_space<vmem>>
    %dma_start3A_478 = arith.constant 0 : i32
    %dma_start3A_479 = arith.constant 0 : i32
    %dma_start3A_480 = tpu.memref_slice %arg3[%dma_start3A_478, %dma_start3A_479] : memref<8192x1024xf32, #tpu.memory_space<hbm>> -> memref<8192x1024xf32, #tpu.memory_space<hbm>>
    tpu.enqueue_indirect_dma source(%dma_start3A_480 : memref<8192x1024xf32, #tpu.memory_space<hbm>>) target(%arg6 : memref<16x1024xf32, #tpu.memory_space<vmem>>) offsets(%dma_start3A_477 : memref<16xi32, #tpu.memory_space<vmem>>) semaphore(%arg13 : memref<!tpu.dma_semaphore, #tpu.memory_space<semaphore_mem>>)
    %add3A_481 = arith.constant 352 : i32
    %add3A_482 = arith.addi %mul3A_2, %add3A_481 : i32
    %dma_start3A_483 = arith.constant 0 : i32
    %dma_start3A_484 = tpu.memref_slice %arg4[%add3A_482, %dma_start3A_483] : memref<16384x1024xf32, #tpu.memory_space<hbm>> -> memref<16x1024xf32, #tpu.memory_space<hbm>>
    %dma_start3A_485 = arith.constant 0 : i32
    %dma_start3A_486 = tpu.memref_slice %arg4[%add3A_482, %dma_start3A_485] : memref<16384x1024xf32, #tpu.memory_space<hbm>> -> memref<16x1024xf32, #tpu.memory_space<hbm>>
    tpu.enqueue_dma source(%arg7 : memref<16x1024xf32, #tpu.memory_space<vmem>>) target(%dma_start3A_486 : memref<16x1024xf32, #tpu.memory_space<hbm>>) target_semaphore(%arg21 : memref<!tpu.dma_semaphore, #tpu.memory_space<semaphore_mem>>)
    %dma_wait3A_487 = arith.constant 368 : i32
    %dma_wait3A_488 = tpu.memref_slice %arg5[%dma_wait3A_487] : memref<512xi32, #tpu.memory_space<vmem>> -> memref<16xi32, #tpu.memory_space<vmem>>
    %dma_wait3A_489 = arith.constant 0 : i32
    %dma_wait3A_490 = arith.constant 0 : i32
    %dma_wait3A_491 = tpu.memref_slice %arg3[%dma_wait3A_489, %dma_wait3A_490] : memref<8192x1024xf32, #tpu.memory_space<hbm>> -> memref<8192x1024xf32, #tpu.memory_space<hbm>>
    tpu.wait_indirect_dma semaphore(%arg15 : memref<!tpu.dma_semaphore, #tpu.memory_space<semaphore_mem>>) src(%dma_wait3A_491 : memref<8192x1024xf32, #tpu.memory_space<hbm>>) dst(%arg8 : memref<16x1024xf32, #tpu.memory_space<vmem>>)
    %dma_wait3A_492 = arith.constant 0 : i32
    %dma_wait3A_493 = tpu.memref_slice %arg4[%add3A_482, %dma_wait3A_492] : memref<16384x1024xf32, #tpu.memory_space<hbm>> -> memref<16x1024xf32, #tpu.memory_space<hbm>>
    %dma_wait3A_494 = arith.constant 0 : i32
    %dma_wait3A_495 = tpu.memref_slice %arg4[%add3A_482, %dma_wait3A_494] : memref<16384x1024xf32, #tpu.memory_space<hbm>> -> memref<16x1024xf32, #tpu.memory_space<hbm>>
    tpu.wait_dma2 semaphore(%arg21 : memref<!tpu.dma_semaphore, #tpu.memory_space<semaphore_mem>>) src(%arg7 : memref<16x1024xf32, #tpu.memory_space<vmem>>) dst(%dma_wait3A_495 : memref<16x1024xf32, #tpu.memory_space<hbm>>)
    %dma_start3A_496 = arith.constant 464 : i32
    %dma_start3A_497 = tpu.memref_slice %arg5[%dma_start3A_496] : memref<512xi32, #tpu.memory_space<vmem>> -> memref<16xi32, #tpu.memory_space<vmem>>
    %dma_start3A_498 = arith.constant 0 : i32
    %dma_start3A_499 = arith.constant 0 : i32
    %dma_start3A_500 = tpu.memref_slice %arg3[%dma_start3A_498, %dma_start3A_499] : memref<8192x1024xf32, #tpu.memory_space<hbm>> -> memref<8192x1024xf32, #tpu.memory_space<hbm>>
    tpu.enqueue_indirect_dma source(%dma_start3A_500 : memref<8192x1024xf32, #tpu.memory_space<hbm>>) target(%arg7 : memref<16x1024xf32, #tpu.memory_space<vmem>>) offsets(%dma_start3A_497 : memref<16xi32, #tpu.memory_space<vmem>>) semaphore(%arg14 : memref<!tpu.dma_semaphore, #tpu.memory_space<semaphore_mem>>)
    %add3A_501 = arith.constant 368 : i32
    %add3A_502 = arith.addi %mul3A_2, %add3A_501 : i32
    %dma_start3A_503 = arith.constant 0 : i32
    %dma_start3A_504 = tpu.memref_slice %arg4[%add3A_502, %dma_start3A_503] : memref<16384x1024xf32, #tpu.memory_space<hbm>> -> memref<16x1024xf32, #tpu.memory_space<hbm>>
    %dma_start3A_505 = arith.constant 0 : i32
    %dma_start3A_506 = tpu.memref_slice %arg4[%add3A_502, %dma_start3A_505] : memref<16384x1024xf32, #tpu.memory_space<hbm>> -> memref<16x1024xf32, #tpu.memory_space<hbm>>
    tpu.enqueue_dma source(%arg8 : memref<16x1024xf32, #tpu.memory_space<vmem>>) target(%dma_start3A_506 : memref<16x1024xf32, #tpu.memory_space<hbm>>) target_semaphore(%arg22 : memref<!tpu.dma_semaphore, #tpu.memory_space<semaphore_mem>>)
    %dma_wait3A_507 = arith.constant 384 : i32
    %dma_wait3A_508 = tpu.memref_slice %arg5[%dma_wait3A_507] : memref<512xi32, #tpu.memory_space<vmem>> -> memref<16xi32, #tpu.memory_space<vmem>>
    %dma_wait3A_509 = arith.constant 0 : i32
    %dma_wait3A_510 = arith.constant 0 : i32
    %dma_wait3A_511 = tpu.memref_slice %arg3[%dma_wait3A_509, %dma_wait3A_510] : memref<8192x1024xf32, #tpu.memory_space<hbm>> -> memref<8192x1024xf32, #tpu.memory_space<hbm>>
    tpu.wait_indirect_dma semaphore(%arg16 : memref<!tpu.dma_semaphore, #tpu.memory_space<semaphore_mem>>) src(%dma_wait3A_511 : memref<8192x1024xf32, #tpu.memory_space<hbm>>) dst(%arg9 : memref<16x1024xf32, #tpu.memory_space<vmem>>)
    %dma_wait3A_512 = arith.constant 0 : i32
    %dma_wait3A_513 = tpu.memref_slice %arg4[%add3A_502, %dma_wait3A_512] : memref<16384x1024xf32, #tpu.memory_space<hbm>> -> memref<16x1024xf32, #tpu.memory_space<hbm>>
    %dma_wait3A_514 = arith.constant 0 : i32
    %dma_wait3A_515 = tpu.memref_slice %arg4[%add3A_502, %dma_wait3A_514] : memref<16384x1024xf32, #tpu.memory_space<hbm>> -> memref<16x1024xf32, #tpu.memory_space<hbm>>
    tpu.wait_dma2 semaphore(%arg22 : memref<!tpu.dma_semaphore, #tpu.memory_space<semaphore_mem>>) src(%arg8 : memref<16x1024xf32, #tpu.memory_space<vmem>>) dst(%dma_wait3A_515 : memref<16x1024xf32, #tpu.memory_space<hbm>>)
    %dma_start3A_516 = arith.constant 480 : i32
    %dma_start3A_517 = tpu.memref_slice %arg5[%dma_start3A_516] : memref<512xi32, #tpu.memory_space<vmem>> -> memref<16xi32, #tpu.memory_space<vmem>>
    %dma_start3A_518 = arith.constant 0 : i32
    %dma_start3A_519 = arith.constant 0 : i32
    %dma_start3A_520 = tpu.memref_slice %arg3[%dma_start3A_518, %dma_start3A_519] : memref<8192x1024xf32, #tpu.memory_space<hbm>> -> memref<8192x1024xf32, #tpu.memory_space<hbm>>
    tpu.enqueue_indirect_dma source(%dma_start3A_520 : memref<8192x1024xf32, #tpu.memory_space<hbm>>) target(%arg8 : memref<16x1024xf32, #tpu.memory_space<vmem>>) offsets(%dma_start3A_517 : memref<16xi32, #tpu.memory_space<vmem>>) semaphore(%arg15 : memref<!tpu.dma_semaphore, #tpu.memory_space<semaphore_mem>>)
    %add3A_521 = arith.constant 384 : i32
    %add3A_522 = arith.addi %mul3A_2, %add3A_521 : i32
    %dma_start3A_523 = arith.constant 0 : i32
    %dma_start3A_524 = tpu.memref_slice %arg4[%add3A_522, %dma_start3A_523] : memref<16384x1024xf32, #tpu.memory_space<hbm>> -> memref<16x1024xf32, #tpu.memory_space<hbm>>
    %dma_start3A_525 = arith.constant 0 : i32
    %dma_start3A_526 = tpu.memref_slice %arg4[%add3A_522, %dma_start3A_525] : memref<16384x1024xf32, #tpu.memory_space<hbm>> -> memref<16x1024xf32, #tpu.memory_space<hbm>>
    tpu.enqueue_dma source(%arg9 : memref<16x1024xf32, #tpu.memory_space<vmem>>) target(%dma_start3A_526 : memref<16x1024xf32, #tpu.memory_space<hbm>>) target_semaphore(%arg23 : memref<!tpu.dma_semaphore, #tpu.memory_space<semaphore_mem>>)
    %dma_wait3A_527 = arith.constant 400 : i32
    %dma_wait3A_528 = tpu.memref_slice %arg5[%dma_wait3A_527] : memref<512xi32, #tpu.memory_space<vmem>> -> memref<16xi32, #tpu.memory_space<vmem>>
    %dma_wait3A_529 = arith.constant 0 : i32
    %dma_wait3A_530 = arith.constant 0 : i32
    %dma_wait3A_531 = tpu.memref_slice %arg3[%dma_wait3A_529, %dma_wait3A_530] : memref<8192x1024xf32, #tpu.memory_space<hbm>> -> memref<8192x1024xf32, #tpu.memory_space<hbm>>
    tpu.wait_indirect_dma semaphore(%arg17 : memref<!tpu.dma_semaphore, #tpu.memory_space<semaphore_mem>>) src(%dma_wait3A_531 : memref<8192x1024xf32, #tpu.memory_space<hbm>>) dst(%arg10 : memref<16x1024xf32, #tpu.memory_space<vmem>>)
    %dma_wait3A_532 = arith.constant 0 : i32
    %dma_wait3A_533 = tpu.memref_slice %arg4[%add3A_522, %dma_wait3A_532] : memref<16384x1024xf32, #tpu.memory_space<hbm>> -> memref<16x1024xf32, #tpu.memory_space<hbm>>
    %dma_wait3A_534 = arith.constant 0 : i32
    %dma_wait3A_535 = tpu.memref_slice %arg4[%add3A_522, %dma_wait3A_534] : memref<16384x1024xf32, #tpu.memory_space<hbm>> -> memref<16x1024xf32, #tpu.memory_space<hbm>>
    tpu.wait_dma2 semaphore(%arg23 : memref<!tpu.dma_semaphore, #tpu.memory_space<semaphore_mem>>) src(%arg9 : memref<16x1024xf32, #tpu.memory_space<vmem>>) dst(%dma_wait3A_535 : memref<16x1024xf32, #tpu.memory_space<hbm>>)
    %dma_start3A_536 = arith.constant 496 : i32
    %dma_start3A_537 = tpu.memref_slice %arg5[%dma_start3A_536] : memref<512xi32, #tpu.memory_space<vmem>> -> memref<16xi32, #tpu.memory_space<vmem>>
    %dma_start3A_538 = arith.constant 0 : i32
    %dma_start3A_539 = arith.constant 0 : i32
    %dma_start3A_540 = tpu.memref_slice %arg3[%dma_start3A_538, %dma_start3A_539] : memref<8192x1024xf32, #tpu.memory_space<hbm>> -> memref<8192x1024xf32, #tpu.memory_space<hbm>>
    tpu.enqueue_indirect_dma source(%dma_start3A_540 : memref<8192x1024xf32, #tpu.memory_space<hbm>>) target(%arg9 : memref<16x1024xf32, #tpu.memory_space<vmem>>) offsets(%dma_start3A_537 : memref<16xi32, #tpu.memory_space<vmem>>) semaphore(%arg16 : memref<!tpu.dma_semaphore, #tpu.memory_space<semaphore_mem>>)
    %add3A_541 = arith.constant 400 : i32
    %add3A_542 = arith.addi %mul3A_2, %add3A_541 : i32
    %dma_start3A_543 = arith.constant 0 : i32
    %dma_start3A_544 = tpu.memref_slice %arg4[%add3A_542, %dma_start3A_543] : memref<16384x1024xf32, #tpu.memory_space<hbm>> -> memref<16x1024xf32, #tpu.memory_space<hbm>>
    %dma_start3A_545 = arith.constant 0 : i32
    %dma_start3A_546 = tpu.memref_slice %arg4[%add3A_542, %dma_start3A_545] : memref<16384x1024xf32, #tpu.memory_space<hbm>> -> memref<16x1024xf32, #tpu.memory_space<hbm>>
    tpu.enqueue_dma source(%arg10 : memref<16x1024xf32, #tpu.memory_space<vmem>>) target(%dma_start3A_546 : memref<16x1024xf32, #tpu.memory_space<hbm>>) target_semaphore(%arg24 : memref<!tpu.dma_semaphore, #tpu.memory_space<semaphore_mem>>)
    %dma_wait3A_547 = arith.constant 416 : i32
    %dma_wait3A_548 = tpu.memref_slice %arg5[%dma_wait3A_547] : memref<512xi32, #tpu.memory_space<vmem>> -> memref<16xi32, #tpu.memory_space<vmem>>
    %dma_wait3A_549 = arith.constant 0 : i32
    %dma_wait3A_550 = arith.constant 0 : i32
    %dma_wait3A_551 = tpu.memref_slice %arg3[%dma_wait3A_549, %dma_wait3A_550] : memref<8192x1024xf32, #tpu.memory_space<hbm>> -> memref<8192x1024xf32, #tpu.memory_space<hbm>>
    tpu.wait_indirect_dma semaphore(%arg18 : memref<!tpu.dma_semaphore, #tpu.memory_space<semaphore_mem>>) src(%dma_wait3A_551 : memref<8192x1024xf32, #tpu.memory_space<hbm>>) dst(%arg11 : memref<16x1024xf32, #tpu.memory_space<vmem>>)
    %add3A_552 = arith.constant 416 : i32
    %add3A_553 = arith.addi %mul3A_2, %add3A_552 : i32
    %dma_start3A_554 = arith.constant 0 : i32
    %dma_start3A_555 = tpu.memref_slice %arg4[%add3A_553, %dma_start3A_554] : memref<16384x1024xf32, #tpu.memory_space<hbm>> -> memref<16x1024xf32, #tpu.memory_space<hbm>>
    %dma_start3A_556 = arith.constant 0 : i32
    %dma_start3A_557 = tpu.memref_slice %arg4[%add3A_553, %dma_start3A_556] : memref<16384x1024xf32, #tpu.memory_space<hbm>> -> memref<16x1024xf32, #tpu.memory_space<hbm>>
    tpu.enqueue_dma source(%arg11 : memref<16x1024xf32, #tpu.memory_space<vmem>>) target(%dma_start3A_557 : memref<16x1024xf32, #tpu.memory_space<hbm>>) target_semaphore(%arg25 : memref<!tpu.dma_semaphore, #tpu.memory_space<semaphore_mem>>)
    %dma_wait3A_558 = arith.constant 432 : i32
    %dma_wait3A_559 = tpu.memref_slice %arg5[%dma_wait3A_558] : memref<512xi32, #tpu.memory_space<vmem>> -> memref<16xi32, #tpu.memory_space<vmem>>
    %dma_wait3A_560 = arith.constant 0 : i32
    %dma_wait3A_561 = arith.constant 0 : i32
    %dma_wait3A_562 = tpu.memref_slice %arg3[%dma_wait3A_560, %dma_wait3A_561] : memref<8192x1024xf32, #tpu.memory_space<hbm>> -> memref<8192x1024xf32, #tpu.memory_space<hbm>>
    tpu.wait_indirect_dma semaphore(%arg19 : memref<!tpu.dma_semaphore, #tpu.memory_space<semaphore_mem>>) src(%dma_wait3A_562 : memref<8192x1024xf32, #tpu.memory_space<hbm>>) dst(%arg12 : memref<16x1024xf32, #tpu.memory_space<vmem>>)
    %add3A_563 = arith.constant 432 : i32
    %add3A_564 = arith.addi %mul3A_2, %add3A_563 : i32
    %dma_start3A_565 = arith.constant 0 : i32
    %dma_start3A_566 = tpu.memref_slice %arg4[%add3A_564, %dma_start3A_565] : memref<16384x1024xf32, #tpu.memory_space<hbm>> -> memref<16x1024xf32, #tpu.memory_space<hbm>>
    %dma_start3A_567 = arith.constant 0 : i32
    %dma_start3A_568 = tpu.memref_slice %arg4[%add3A_564, %dma_start3A_567] : memref<16384x1024xf32, #tpu.memory_space<hbm>> -> memref<16x1024xf32, #tpu.memory_space<hbm>>
    tpu.enqueue_dma source(%arg12 : memref<16x1024xf32, #tpu.memory_space<vmem>>) target(%dma_start3A_568 : memref<16x1024xf32, #tpu.memory_space<hbm>>) target_semaphore(%arg26 : memref<!tpu.dma_semaphore, #tpu.memory_space<semaphore_mem>>)
    %dma_wait3A_569 = arith.constant 448 : i32
    %dma_wait3A_570 = tpu.memref_slice %arg5[%dma_wait3A_569] : memref<512xi32, #tpu.memory_space<vmem>> -> memref<16xi32, #tpu.memory_space<vmem>>
    %dma_wait3A_571 = arith.constant 0 : i32
    %dma_wait3A_572 = arith.constant 0 : i32
    %dma_wait3A_573 = tpu.memref_slice %arg3[%dma_wait3A_571, %dma_wait3A_572] : memref<8192x1024xf32, #tpu.memory_space<hbm>> -> memref<8192x1024xf32, #tpu.memory_space<hbm>>
    tpu.wait_indirect_dma semaphore(%arg13 : memref<!tpu.dma_semaphore, #tpu.memory_space<semaphore_mem>>) src(%dma_wait3A_573 : memref<8192x1024xf32, #tpu.memory_space<hbm>>) dst(%arg6 : memref<16x1024xf32, #tpu.memory_space<vmem>>)
    %add3A_574 = arith.constant 448 : i32
    %add3A_575 = arith.addi %mul3A_2, %add3A_574 : i32
    %dma_start3A_576 = arith.constant 0 : i32
    %dma_start3A_577 = tpu.memref_slice %arg4[%add3A_575, %dma_start3A_576] : memref<16384x1024xf32, #tpu.memory_space<hbm>> -> memref<16x1024xf32, #tpu.memory_space<hbm>>
    %dma_start3A_578 = arith.constant 0 : i32
    %dma_start3A_579 = tpu.memref_slice %arg4[%add3A_575, %dma_start3A_578] : memref<16384x1024xf32, #tpu.memory_space<hbm>> -> memref<16x1024xf32, #tpu.memory_space<hbm>>
    tpu.enqueue_dma source(%arg6 : memref<16x1024xf32, #tpu.memory_space<vmem>>) target(%dma_start3A_579 : memref<16x1024xf32, #tpu.memory_space<hbm>>) target_semaphore(%arg20 : memref<!tpu.dma_semaphore, #tpu.memory_space<semaphore_mem>>)
    %dma_wait3A_580 = arith.constant 464 : i32
    %dma_wait3A_581 = tpu.memref_slice %arg5[%dma_wait3A_580] : memref<512xi32, #tpu.memory_space<vmem>> -> memref<16xi32, #tpu.memory_space<vmem>>
    %dma_wait3A_582 = arith.constant 0 : i32
    %dma_wait3A_583 = arith.constant 0 : i32
    %dma_wait3A_584 = tpu.memref_slice %arg3[%dma_wait3A_582, %dma_wait3A_583] : memref<8192x1024xf32, #tpu.memory_space<hbm>> -> memref<8192x1024xf32, #tpu.memory_space<hbm>>
    tpu.wait_indirect_dma semaphore(%arg14 : memref<!tpu.dma_semaphore, #tpu.memory_space<semaphore_mem>>) src(%dma_wait3A_584 : memref<8192x1024xf32, #tpu.memory_space<hbm>>) dst(%arg7 : memref<16x1024xf32, #tpu.memory_space<vmem>>)
    %add3A_585 = arith.constant 464 : i32
    %add3A_586 = arith.addi %mul3A_2, %add3A_585 : i32
    %dma_start3A_587 = arith.constant 0 : i32
    %dma_start3A_588 = tpu.memref_slice %arg4[%add3A_586, %dma_start3A_587] : memref<16384x1024xf32, #tpu.memory_space<hbm>> -> memref<16x1024xf32, #tpu.memory_space<hbm>>
    %dma_start3A_589 = arith.constant 0 : i32
    %dma_start3A_590 = tpu.memref_slice %arg4[%add3A_586, %dma_start3A_589] : memref<16384x1024xf32, #tpu.memory_space<hbm>> -> memref<16x1024xf32, #tpu.memory_space<hbm>>
    tpu.enqueue_dma source(%arg7 : memref<16x1024xf32, #tpu.memory_space<vmem>>) target(%dma_start3A_590 : memref<16x1024xf32, #tpu.memory_space<hbm>>) target_semaphore(%arg21 : memref<!tpu.dma_semaphore, #tpu.memory_space<semaphore_mem>>)
    %dma_wait3A_591 = arith.constant 480 : i32
    %dma_wait3A_592 = tpu.memref_slice %arg5[%dma_wait3A_591] : memref<512xi32, #tpu.memory_space<vmem>> -> memref<16xi32, #tpu.memory_space<vmem>>
    %dma_wait3A_593 = arith.constant 0 : i32
    %dma_wait3A_594 = arith.constant 0 : i32
    %dma_wait3A_595 = tpu.memref_slice %arg3[%dma_wait3A_593, %dma_wait3A_594] : memref<8192x1024xf32, #tpu.memory_space<hbm>> -> memref<8192x1024xf32, #tpu.memory_space<hbm>>
    tpu.wait_indirect_dma semaphore(%arg15 : memref<!tpu.dma_semaphore, #tpu.memory_space<semaphore_mem>>) src(%dma_wait3A_595 : memref<8192x1024xf32, #tpu.memory_space<hbm>>) dst(%arg8 : memref<16x1024xf32, #tpu.memory_space<vmem>>)
    %add3A_596 = arith.constant 480 : i32
    %add3A_597 = arith.addi %mul3A_2, %add3A_596 : i32
    %dma_start3A_598 = arith.constant 0 : i32
    %dma_start3A_599 = tpu.memref_slice %arg4[%add3A_597, %dma_start3A_598] : memref<16384x1024xf32, #tpu.memory_space<hbm>> -> memref<16x1024xf32, #tpu.memory_space<hbm>>
    %dma_start3A_600 = arith.constant 0 : i32
    %dma_start3A_601 = tpu.memref_slice %arg4[%add3A_597, %dma_start3A_600] : memref<16384x1024xf32, #tpu.memory_space<hbm>> -> memref<16x1024xf32, #tpu.memory_space<hbm>>
    tpu.enqueue_dma source(%arg8 : memref<16x1024xf32, #tpu.memory_space<vmem>>) target(%dma_start3A_601 : memref<16x1024xf32, #tpu.memory_space<hbm>>) target_semaphore(%arg22 : memref<!tpu.dma_semaphore, #tpu.memory_space<semaphore_mem>>)
    %dma_wait3A_602 = arith.constant 496 : i32
    %dma_wait3A_603 = tpu.memref_slice %arg5[%dma_wait3A_602] : memref<512xi32, #tpu.memory_space<vmem>> -> memref<16xi32, #tpu.memory_space<vmem>>
    %dma_wait3A_604 = arith.constant 0 : i32
    %dma_wait3A_605 = arith.constant 0 : i32
    %dma_wait3A_606 = tpu.memref_slice %arg3[%dma_wait3A_604, %dma_wait3A_605] : memref<8192x1024xf32, #tpu.memory_space<hbm>> -> memref<8192x1024xf32, #tpu.memory_space<hbm>>
    tpu.wait_indirect_dma semaphore(%arg16 : memref<!tpu.dma_semaphore, #tpu.memory_space<semaphore_mem>>) src(%dma_wait3A_606 : memref<8192x1024xf32, #tpu.memory_space<hbm>>) dst(%arg9 : memref<16x1024xf32, #tpu.memory_space<vmem>>)
    %add3A_607 = arith.constant 496 : i32
    %add3A_608 = arith.addi %mul3A_2, %add3A_607 : i32
    %dma_start3A_609 = arith.constant 0 : i32
    %dma_start3A_610 = tpu.memref_slice %arg4[%add3A_608, %dma_start3A_609] : memref<16384x1024xf32, #tpu.memory_space<hbm>> -> memref<16x1024xf32, #tpu.memory_space<hbm>>
    %dma_start3A_611 = arith.constant 0 : i32
    %dma_start3A_612 = tpu.memref_slice %arg4[%add3A_608, %dma_start3A_611] : memref<16384x1024xf32, #tpu.memory_space<hbm>> -> memref<16x1024xf32, #tpu.memory_space<hbm>>
    tpu.enqueue_dma source(%arg9 : memref<16x1024xf32, #tpu.memory_space<vmem>>) target(%dma_start3A_612 : memref<16x1024xf32, #tpu.memory_space<hbm>>) target_semaphore(%arg23 : memref<!tpu.dma_semaphore, #tpu.memory_space<semaphore_mem>>)
    %dma_wait3A_613 = arith.constant 0 : i32
    %dma_wait3A_614 = tpu.memref_slice %arg4[%add3A_542, %dma_wait3A_613] : memref<16384x1024xf32, #tpu.memory_space<hbm>> -> memref<16x1024xf32, #tpu.memory_space<hbm>>
    %dma_wait3A_615 = arith.constant 0 : i32
    %dma_wait3A_616 = tpu.memref_slice %arg4[%add3A_542, %dma_wait3A_615] : memref<16384x1024xf32, #tpu.memory_space<hbm>> -> memref<16x1024xf32, #tpu.memory_space<hbm>>
    tpu.wait_dma2 semaphore(%arg24 : memref<!tpu.dma_semaphore, #tpu.memory_space<semaphore_mem>>) src(%arg10 : memref<16x1024xf32, #tpu.memory_space<vmem>>) dst(%dma_wait3A_616 : memref<16x1024xf32, #tpu.memory_space<hbm>>)
    %dma_wait3A_617 = arith.constant 0 : i32
    %dma_wait3A_618 = tpu.memref_slice %arg4[%add3A_553, %dma_wait3A_617] : memref<16384x1024xf32, #tpu.memory_space<hbm>> -> memref<16x1024xf32, #tpu.memory_space<hbm>>
    %dma_wait3A_619 = arith.constant 0 : i32
    %dma_wait3A_620 = tpu.memref_slice %arg4[%add3A_553, %dma_wait3A_619] : memref<16384x1024xf32, #tpu.memory_space<hbm>> -> memref<16x1024xf32, #tpu.memory_space<hbm>>
    tpu.wait_dma2 semaphore(%arg25 : memref<!tpu.dma_semaphore, #tpu.memory_space<semaphore_mem>>) src(%arg11 : memref<16x1024xf32, #tpu.memory_space<vmem>>) dst(%dma_wait3A_620 : memref<16x1024xf32, #tpu.memory_space<hbm>>)
    %dma_wait3A_621 = arith.constant 0 : i32
    %dma_wait3A_622 = tpu.memref_slice %arg4[%add3A_564, %dma_wait3A_621] : memref<16384x1024xf32, #tpu.memory_space<hbm>> -> memref<16x1024xf32, #tpu.memory_space<hbm>>
    %dma_wait3A_623 = arith.constant 0 : i32
    %dma_wait3A_624 = tpu.memref_slice %arg4[%add3A_564, %dma_wait3A_623] : memref<16384x1024xf32, #tpu.memory_space<hbm>> -> memref<16x1024xf32, #tpu.memory_space<hbm>>
    tpu.wait_dma2 semaphore(%arg26 : memref<!tpu.dma_semaphore, #tpu.memory_space<semaphore_mem>>) src(%arg12 : memref<16x1024xf32, #tpu.memory_space<vmem>>) dst(%dma_wait3A_624 : memref<16x1024xf32, #tpu.memory_space<hbm>>)
    %dma_wait3A_625 = arith.constant 0 : i32
    %dma_wait3A_626 = tpu.memref_slice %arg4[%add3A_575, %dma_wait3A_625] : memref<16384x1024xf32, #tpu.memory_space<hbm>> -> memref<16x1024xf32, #tpu.memory_space<hbm>>
    %dma_wait3A_627 = arith.constant 0 : i32
    %dma_wait3A_628 = tpu.memref_slice %arg4[%add3A_575, %dma_wait3A_627] : memref<16384x1024xf32, #tpu.memory_space<hbm>> -> memref<16x1024xf32, #tpu.memory_space<hbm>>
    tpu.wait_dma2 semaphore(%arg20 : memref<!tpu.dma_semaphore, #tpu.memory_space<semaphore_mem>>) src(%arg6 : memref<16x1024xf32, #tpu.memory_space<vmem>>) dst(%dma_wait3A_628 : memref<16x1024xf32, #tpu.memory_space<hbm>>)
    %dma_wait3A_629 = arith.constant 0 : i32
    %dma_wait3A_630 = tpu.memref_slice %arg4[%add3A_586, %dma_wait3A_629] : memref<16384x1024xf32, #tpu.memory_space<hbm>> -> memref<16x1024xf32, #tpu.memory_space<hbm>>
    %dma_wait3A_631 = arith.constant 0 : i32
    %dma_wait3A_632 = tpu.memref_slice %arg4[%add3A_586, %dma_wait3A_631] : memref<16384x1024xf32, #tpu.memory_space<hbm>> -> memref<16x1024xf32, #tpu.memory_space<hbm>>
    tpu.wait_dma2 semaphore(%arg21 : memref<!tpu.dma_semaphore, #tpu.memory_space<semaphore_mem>>) src(%arg7 : memref<16x1024xf32, #tpu.memory_space<vmem>>) dst(%dma_wait3A_632 : memref<16x1024xf32, #tpu.memory_space<hbm>>)
    %dma_wait3A_633 = arith.constant 0 : i32
    %dma_wait3A_634 = tpu.memref_slice %arg4[%add3A_597, %dma_wait3A_633] : memref<16384x1024xf32, #tpu.memory_space<hbm>> -> memref<16x1024xf32, #tpu.memory_space<hbm>>
    %dma_wait3A_635 = arith.constant 0 : i32
    %dma_wait3A_636 = tpu.memref_slice %arg4[%add3A_597, %dma_wait3A_635] : memref<16384x1024xf32, #tpu.memory_space<hbm>> -> memref<16x1024xf32, #tpu.memory_space<hbm>>
    tpu.wait_dma2 semaphore(%arg22 : memref<!tpu.dma_semaphore, #tpu.memory_space<semaphore_mem>>) src(%arg8 : memref<16x1024xf32, #tpu.memory_space<vmem>>) dst(%dma_wait3A_636 : memref<16x1024xf32, #tpu.memory_space<hbm>>)
    %dma_wait3A_637 = arith.constant 0 : i32
    %dma_wait3A_638 = tpu.memref_slice %arg4[%add3A_608, %dma_wait3A_637] : memref<16384x1024xf32, #tpu.memory_space<hbm>> -> memref<16x1024xf32, #tpu.memory_space<hbm>>
    %dma_wait3A_639 = arith.constant 0 : i32
    %dma_wait3A_640 = tpu.memref_slice %arg4[%add3A_608, %dma_wait3A_639] : memref<16384x1024xf32, #tpu.memory_space<hbm>> -> memref<16x1024xf32, #tpu.memory_space<hbm>>
    tpu.wait_dma2 semaphore(%arg23 : memref<!tpu.dma_semaphore, #tpu.memory_space<semaphore_mem>>) src(%arg9 : memref<16x1024xf32, #tpu.memory_space<vmem>>) dst(%dma_wait3A_640 : memref<16x1024xf32, #tpu.memory_space<hbm>>)
    return
  }
}

</mosaic_0001>

<sc_bundles>
// kernel: kernel.3.cloned.1.call-start
scs
__scs_entry_jumppad:
0x0: {  	(pc) =	sbr.rel $0x88, $3  }
0x1: {  	(tag) =	ssettag $0x0;
	lr =	simm.s32 $0x1  }
0x2: {  	[smem:$0x3F9F] =	sst lr;
	_ =	strace $0xD0000000  }
0x3: {  	_ = 	snop  }
0x4: {  	_ = 	snop  }
0x5: {  	_ = 	snop  }
0x6: {  	_ = 	snop  }
0x7: {  	_ = 	snop  }
__scs_overlays_trampoline_lowered:
0x8: {  	[smem:$0x3FAE] =	sst s0  }
0x9: {  	[smem:$0x3FAF] =	sst s1  }
0xa: {  	[smem:$0x3FB0] =	sst s2  }
0xb: {  	[smem:$0x3FB1] =	sst s3  }
0xc: {  	[smem:$0x3FB2] =	sst s4  }
0xd: {  	[smem:$0x3FB3] =	sst s5  }
0xe: {  	[smem:$0x3FB4] =	sst s6  }
0xf: {  	[smem:$0x3FB5] =	sst s7  }
0x10: {  	[smem:$0x3FB6] =	sst s8  }
0x11: {  	[smem:$0x3FB7] =	sst s9;
	s0 =	simm.s32 @!p0 $0x0  }
0x12: {  	s1 =	sld [smem:$0x3F9D];
	s0 =	simm.s32 @p0 $0x1  }
0x13: {  	[smem:$0x3FB8] =	sst s0;
	s0 =	simm.s32 @!p1 $0x0  }
0x14: {  	s2 =	sld [smem:$0x3F9C];
	s0 =	simm.s32 @p1 $0x1  }
0x15: {  	[smem:$0x3FB9] =	sst s0;
	s0 =	simm.s32 @!p2 $0x0  }
0x16: {  	s3 =	sld [smem:$0x3FDB];
	s0 =	simm.s32 @p2 $0x1  }
0x17: {  	s4 =	simm.s32 $0x1BF5;
	[smem:$0x3FBB] =	sst s0  }
0x18: {  	s0 =	sld [smem:$0x3F9E];
	_ =	swait.ge [sflag:s4], $0x0  }
0x19: {  	s7 =	sld [smem:$0x3F9F]  }
0x1a: {  	s8 =	sadd.s32 $0xFFFFE003, lr  }
0x1b: {  	s9 =	sadd.s32 $0xFFFFFEF7, lr;
	s5 =	simm.s32 $0xFFFFFFFF;
	p2 =	slt.u32 s8, $0xFFFFF086  }
0x1c: {  	p1 =	slt.u32 s9, $0xF7A;
	s5 =	simm.s32 @!p2 $0x0  }
0x1d: {  	s5 =	simm.s32 @p1 $0x1;
	p0 =	seq.s32 s7, s2  }
0x1e: {  	s7 =	smul.u32 @!p0 $0xF7A, s2;
	p2 =	seq.s32 @!p0 s5, $0x0  }
0x1f: {  	s9 =	smul.u32 $0xF7A, s1;
	s8 =	simm.s32 @!p0 $0x1BF5;
	p2 =	por !p2, p0  }
0x20: {  	[sflag:s8] =	ssyncset.s32 @!p0 $0xFFFFF086;
	s6 =	sadd.s32 @!p0 s3, s7;
	s7 =	simm.s32 @!p0 $0x108  }
0x21: {  	s3 =	sadd.s32 s3, s9;
	s6 =	sadd.s32 @!p0 $0x88, s6;
	s7 =	simm.s32 @p2 $0x1082  }
0x22: {  	[simem:s7], [sflag:s8] =	dma.local @!p0 [hbm:s6], $0xF7A  }
0x23: {  	s9 =	sor.u32 $0xD0000000, s2;
	s6 =	simm.s32 $0x108;
	_ =	swait.ge @!p0 [sflag:s8], $0x0  }
0x24: {  	s3 =	sadd.s32 $0x88, s3;
	s6 =	simm.s32 @!p1 $0x1082;
	[sflag:s4] =	ssyncset.s32 $0xFFFFF086  }
0x25: {  	[simem:s6], [sflag:s4] =	dma.local [hbm:s3], $0xF7A  }
0x26: {  	[smem:$0x3F9F] =	sst s1;
	(tag) =	ssettag s2;
	_ =	strace s9  }
0x27: {  	s1 =	sld [smem:$0x3FAF]  }
0x28: {  	s2 =	sld [smem:$0x3FB0]  }
0x29: {  	s4 =	sld [smem:$0x3FB2]  }
0x2a: {  	p0 =	seq.s32 s5, $0x0;
	s5 =	sld [smem:$0x3FB3]  }
0x2b: {  	s6 =	sld [smem:$0x3FB4]  }
0x2c: {  	s7 =	sld [smem:$0x3FB5]  }
0x2d: {  	s3 =	simm.s32 $0x108;
	s8 =	sld [smem:$0x3FB6]  }
0x2e: {  	s3 =	simm.s32 @!p0 $0x1082;
	s9 =	sld [smem:$0x3FB7]  }
0x2f: {  	lr =	sadd.s32 s0, s3;
	s0 =	sld [smem:$0x3FAE]  }
0x30: {  	s3 =	sld [smem:$0x3FB1]  }
0x31: {  	[smem:$0x3FBA] =	sst s10  }
0x32: {  	s10 =	sld [smem:$0x3FB8];
	_ =	sdelay $0x3  }
0x33: {  	p0 =	seq.s32 s10, $0x1;
	s10 =	sld [smem:$0x3FBA];
	_ =	sdelay $0x3  }
0x34: {  	[smem:$0x3FBA] =	sst s10  }
0x35: {  	s10 =	sld [smem:$0x3FB9];
	_ =	sdelay $0x3  }
0x36: {  	p1 =	seq.s32 s10, $0x1;
	s10 =	sld [smem:$0x3FBA];
	_ =	sdelay $0x3  }
0x37: {  	[smem:$0x3FBA] =	sst s10  }
0x38: {  	s10 =	sld [smem:$0x3FBB]  }
0x39: {  	_ = 	snop;
	(pc) =	sbr.ind lr, $3  }
0x3a: {  	_ = 	snop  }
0x3b: {  	_ = 	snop  }
0x3c: {  	p2 =	seq.s32 s10, $0x1;
	s10 =	sld [smem:$0x3FBA]  }
0x3d: {  	_ =	shalt  }
0x3e: {  	_ =	shalt  }
0x3f: {  	_ =	shalt  }
0x40: {  	_ =	shalt  }
0x41: {  	_ =	shalt  }
0x42: {  	_ =	shalt  }
0x43: {  	_ =	shalt  }
0x44: {  	_ =	shalt  }
0x45: {  	_ =	shalt  }
0x46: {  	_ =	shalt  }
0x47: {  	_ =	shalt  }
0x48: {  	_ =	shalt  }
0x49: {  	_ =	shalt  }
0x4a: {  	_ =	shalt  }
0x4b: {  	_ =	shalt  }
0x4c: {  	_ =	shalt  }
0x4d: {  	_ =	shalt  }
0x4e: {  	_ =	shalt  }
0x4f: {  	_ =	shalt  }
0x50: {  	_ =	shalt  }
0x51: {  	_ =	shalt  }
0x52: {  	_ =	shalt  }
0x53: {  	_ =	shalt  }
0x54: {  	_ =	shalt  }
0x55: {  	_ =	shalt  }
0x56: {  	_ =	shalt  }
0x57: {  	_ =	shalt  }
0x58: {  	_ =	shalt  }
0x59: {  	_ =	shalt  }
0x5a: {  	_ =	shalt  }
0x5b: {  	_ =	shalt  }
0x5c: {  	_ =	shalt  }
0x5d: {  	_ =	shalt  }
0x5e: {  	_ =	shalt  }
0x5f: {  	_ =	shalt  }
0x60: {  	_ =	shalt  }
0x61: {  	_ =	shalt  }
0x62: {  	_ =	shalt  }
0x63: {  	_ =	shalt  }
0x64: {  	_ =	shalt  }
0x65: {  	_ =	shalt  }
0x66: {  	_ =	shalt  }
0x67: {  	_ =	shalt  }
0x68: {  	_ =	shalt  }
0x69: {  	_ =	shalt  }
0x6a: {  	_ =	shalt  }
0x6b: {  	_ =	shalt  }
0x6c: {  	_ =	shalt  }
0x6d: {  	_ =	shalt  }
0x6e: {  	_ =	shalt  }
0x6f: {  	_ =	shalt  }
0x70: {  	_ =	shalt  }
0x71: {  	_ =	shalt  }
0x72: {  	_ =	shalt  }
0x73: {  	_ =	shalt  }
0x74: {  	_ =	shalt  }
0x75: {  	_ =	shalt  }
0x76: {  	_ =	shalt  }
0x77: {  	_ =	shalt  }
0x78: {  	_ =	shalt  }
0x79: {  	_ =	shalt  }
0x7a: {  	_ =	shalt  }
0x7b: {  	_ =	shalt  }
0x7c: {  	_ =	shalt  }
0x7d: {  	_ =	shalt  }
0x7e: {  	_ =	shalt  }
0x7f: {  	_ =	shalt  }
0x80: {  	_ =	shalt  }
0x81: {  	_ =	shalt  }
0x82: {  	_ =	shalt  }
0x83: {  	_ =	shalt  }
0x84: {  	_ =	shalt  }
0x85: {  	_ =	shalt  }
0x86: {  	_ =	shalt  }
0x87: {  	_ =	shalt  }
.Lfunc_end0:
.L_simem_size_0:
called_computation_lowered:
.L_overlay_start_0:
0x88: {  	s2 =	sld [smem:$0x3FD9]  }
0x89: {  	s3 =	sld [smem:$0x3FFE];
	_ =	sdelay $0x1  }
0x8a: {  	s1 =	srdreg.scid  }
0x8b: {  	s0 =	sand.u32 $0x1, s1  }
0x8c: {  	s18 =	sshll.u32 s0, $0xA;
	s2 =	sadd.s32 s3, s2  }
0x8d: {  	s2 =	sadd.s32 s2, s18  }
0x8e: {  	[smem:$0x3FC6] =	sst s2  }
0x8f: {  	_ = 	snop  }
0x90: {  	s2 =	sld [smem:$0x3FC9]  }
0x91: {  	s19 =	sld [smem:$0x3FC8]  }
0x92: {  	s4 =	sld [smem:$0x3FD0];
	(tm) =	ssettm $0x1  }
0x93: {  	s5 =	sld [smem:$0x3FFB];
	_ =	sdelay $0x3  }
0x94: {  	_ =	strace s5  }
0x95: {  	s5 =	sld [smem:$0x3FFC];
	_ =	sdelay $0x3  }
0x96: {  	_ =	strace s5  }
0x97: {  	s5 =	sld [smem:$0x3FFD];
	_ =	sdelay $0x3  }
0x98: {  	_ =	strace s5  }
0x99: {  	_ =	strace $0x8FFFFFFF  }
0x9a: {  	s20 =	sld [smem:$0x3FDB];
	_ =	sdelay $0x1  }
0x9b: {  	s6 =	simm.s32 $_scs_section_size  }
0x9c: {  	s7 =	simm.s32 $_size__tile_overlayer_lowered;
	s8 =	simm.s32 $_tile_overlayer_lowered  }
0x9d: {  	s23 =	simm.s32 $0x1BFF;
	s22 =	sshll.u32 s8, $0x1;
	s5 =	sadd.s32 s6, s20  }
0x9e: {  	s9 =	simm.s32 $0x0;
	s21 =	sshll.u32 s7, $0x1;
	s7 =	sadd.s32 s22, s5  }
0x9f: {  	[timem:s9], [sflag:s23] =	dma.local [hbm:s7], s21  }
0xa0: {  	_ =	swait.ge [sflag:s23], s21  }
0xa1: {  	s6 =	ssub.s32 $0x0, s21;
	[sflag:s23] =	ssyncset.done $0x0  }
0xa2: {  	[sflag:s23] =	ssyncadd.s32 s6;
	_ =	sdelay $0x1  }
0xa3: {  	s24 =	simm.s32 $0x1B8B  }
0xa4: {  	_ =	swait.ge [sflag:s24], $0x1  }
0xa5: {  	[sflag:s24] =	ssyncset.done $0x0  }
0xa6: {  	s25 =	simm.s32 $0x1B8E;
	[sflag:s24] =	ssyncadd.s32 $0xFFFFFFFF  }
0xa7: {  	s26 =	simm.s32 $execute0_lowered;
	[smem:$0x3FD2] =	sst s25  }
0xa8: {  	s6 =	sshll.u32 s26, $0x1;
	_ =	strace $0x80000046;
	[dreg:$0x1] =	wrdreg $0xFFFFFFFF  }
0xa9: {  	s28 =	simm.s32 $_size_execute0_lowered;
	s5 =	sadd.s32 s5, s6;
	[dreg:$0x0] =	wrdreg $0x0  }
0xaa: {  	s6 =	sshll.u32 s28, $0x1;
	[dreg:$0x2] =	wrdreg s5  }
0xab: {  	[dreg:$0x3] =	wrdreg s6  }
0xac: {  	[dreg:$0x4] =	wrdreg $0xC0  }
0xad: {  	_ =	task [dreg:s9], $0x5FFFF  }
0xae: {  	[dreg:$0x1] =	wrdreg $0xFFFFFFFF  }
0xaf: {  	[dreg:$0x0] =	wrdreg $0x60  }
0xb0: {  	[dreg:$0x2] =	wrdreg s2  }
0xb1: {  	[dreg:$0x3] =	wrdreg s19  }
0xb2: {  	[dreg:$0x4] =	wrdreg s4  }
0xb3: {  	[dreg:$0x5] =	wrdreg $0x9  }
0xb4: {  	_ =	task.clear_ibuf [dreg:s9], $0x6FFFF;
	_ =	strace $0x90000046  }
0xb5: {  	s29 =	simm.s32 $0x9;
	_ =	strace $0x80000048  }
0xb6: {  	_ =	swait.ge [sflag:s29], $0x1  }
0xb7: {  	[sflag:s29] =	ssyncadd.s32 $0xFFFFFFFF  }
0xb8: {  	_ =	strace $0x90000048  }
0xb9: {  	_ =	sfence  }
0xba: {  	s30 =	sld [smem:$0x0];
	_ =	sdelay $0x2  }
0xbb: {  	s31 =	sshll.u32 s1, $0xD;
	s1 =	sshrl.u32 s1, $0x2  }
0xbc: {  	s3 =	sand.u32 $0x4000, s31;
	s1 =	sadd.s32 s1, s30  }
0xbd: {  	s0 =	sor.u32 s3, s0;
	s1 =	sshll.u32 s1, $0x11  }
0xbe: {  	s0 =	sor.u32 s1, s0  }
0xbf: {  	s0 =	sadd.s32 $0x8F2B, s0  }
0xc0: {  	[sflag:s0] =	ssyncadd.remote.s32 $0x1  }
0xc1: {  	_ =	sfence.sel $0xFFFF  }
0xc2: {  	[dreg:$0x0] =	wrdreg $0xFFFFFFFF;
	(pc) =	sbr.abs _section_cstart, $3  }
0xc3: {  	[dreg:$0x1] =	wrdreg $0xFFFFFFFF  }
0xc4: {  	_ =	task.clear_ibuf [dreg:s9], $0x2FFFF;
	_ =	strace $0x9FFFFFFF  }
0xc5: {  	(tm) =	ssettm $0x7FFFFFFF  }
tec
execute0_lowered:
.L_overlay_start_1:
0x0: {  	(tag) =	ssettag $0x1  }
0x1: {  	s0 =	srdreg.scid  }
0x2: {  	s3 =	stileid.u32;
	s0 =	sand.u32 $0x1, s0  }
0x3: {  	s1 =	rddreg [dreg:$0x0];
	s5 =	sshll.u32 s3, $0xA;
	s6 =	sshll.u32 s0, $0x9  }
0x4: {  	s2 =	rddreg [dreg:$0x1];
	s5 =	sor.u32 s6, s5  }
0x5: {  	s4 =	rddreg [dreg:$0x2];
	s3 =	simm.s32 $0x0;
	s6 =	sshrl.u32 s5, $0x3  }
0x6: {  	[smem:$0x7FF] =	sst s3;
	s5 =	sshll.u32 s5, $0x7;
	s1 =	sadd.s32 s1, s6  }
0x7: {  	_ =	strace $0x80000047;
	s6 =	sadd.s32 s4, s5;
	[dreg:$0x4] =	wrdreg s1  }
0x8: {  	s19 =	sadd.s32 $0x800, s6;
	[smem:$0x7FC] =	sst s6  }
0x9: {  	s20 =	sadd.s32 $0x1000, s6;
	[dreg:$0x5] =	wrdreg s19  }
0xa: {  	s21 =	sadd.s32 $0x1800, s6;
	[dreg:$0x6] =	wrdreg s20  }
0xb: {  	s22 =	sadd.s32 $0x2000, s6;
	[dreg:$0x7] =	wrdreg s21  }
0xc: {  	s23 =	sadd.s32 $0x2800, s6;
	[dreg:$0x8] =	wrdreg s22  }
0xd: {  	s24 =	sadd.s32 $0x3000, s6;
	[dreg:$0x9] =	wrdreg s23  }
0xe: {  	s25 =	sadd.s32 $0x3800, s6;
	[dreg:$0xa] =	wrdreg s24  }
0xf: {  	s26 =	sadd.s32 $0x4000, s6;
	[dreg:$0xb] =	wrdreg s25  }
0x10: {  	s31 =	sadd.s32 $0x4800, s6;
	[dreg:$0xc] =	wrdreg s26  }
0x11: {  	s4 =	sadd.s32 $0x5000, s6;
	[dreg:$0xd] =	wrdreg s31  }
0x12: {  	s5 =	sadd.s32 $0x5800, s6;
	[dreg:$0xe] =	wrdreg s4  }
0x13: {  	s7 =	sadd.s32 $0x6000, s6;
	[dreg:$0xf] =	wrdreg s5  }
0x14: {  	s8 =	sadd.s32 $0x6800, s6;
	[dreg:$0x10] =	wrdreg s7  }
0x15: {  	s9 =	sadd.s32 $0x7000, s6;
	[dreg:$0x11] =	wrdreg s8  }
0x16: {  	s10 =	sadd.s32 $0x7800, s6;
	[dreg:$0x12] =	wrdreg s9  }
0x17: {  	s11 =	sadd.s32 $0x8000, s6;
	[dreg:$0x13] =	wrdreg s10  }
0x18: {  	s12 =	sadd.s32 $0x8800, s6;
	[dreg:$0x14] =	wrdreg s11  }
0x19: {  	s13 =	sadd.s32 $0x9000, s6;
	[dreg:$0x15] =	wrdreg s12  }
0x1a: {  	s14 =	sadd.s32 $0x9800, s6;
	[dreg:$0x16] =	wrdreg s13  }
0x1b: {  	s15 =	sadd.s32 $0xA000, s6;
	[dreg:$0x17] =	wrdreg s14  }
0x1c: {  	s16 =	sadd.s32 $0xA800, s6;
	[dreg:$0x18] =	wrdreg s15  }
0x1d: {  	s28 =	simm.s32 $0x9;
	s17 =	sadd.s32 $0xB000, s6;
	[dreg:$0x19] =	wrdreg s16  }
0x1e: {  	s29 =	simm.s32 $0x4;
	s18 =	sadd.s32 $0xB800, s6;
	[dreg:$0x1a] =	wrdreg s17  }
0x1f: {  	s30 =	simm.s32 $0xA;
	[dreg:$0x1b] =	wrdreg s18;
	s19 =	sadd.s32 $0xC000, s6  }
0x20: {  	s0 =	ssub.s32 $0x2, s0;
	s20 =	sadd.s32 $0xC800, s6;
	[dreg:$0x1c] =	wrdreg s19  }
0x21: {  	s1 =	simm.s32 $0xB;
	s21 =	sadd.s32 $0xD000, s6;
	[dreg:$0x1d] =	wrdreg s20  }
0x22: {  	s22 =	sadd.s32 $0xD800, s6;
	s23 =	sadd.s32 $0xE000, s6;
	[dreg:$0x1e] =	wrdreg s21  }
0x23: {  	s24 =	sshrl.u32 s0, $0x1;
	s25 =	sadd.s32 $0xE800, s6;
	[dreg:$0x1f] =	wrdreg s22  }
0x24: {  	s26 =	sadd.s32 $0xF000, s6;
	s5 =	sadd.s32 $0x100, s2;
	[smem:$0x7F9] =	sst s23  }
0x25: {  	s31 =	sadd.s32 $0xF800, s6;
	s6 =	sadd.s32 $0x200, s2;
	[smem:$0x7FA] =	sst s25  }
0x26: {  	v2 =	vlaneseq.u32;
	s7 =	sadd.s32 $0x300, s2;
	s0 =	ssub.s32 s0, s24;
	[smem:$0x7FB] =	sst s26  }
0x27: {  	vm0 =	vmmov $0xffff;
	v1 =	vshrl.u32 v2, $0x3;
	[smem:$0x7FD] =	sst s31;
	s21 =	simm.s32 $0x1;
	s23 =	simm.s32 $0x2  }
0x28: {  	v0 =	vand.u32 $0x7, v2;
	v2 =	vor.u32 $0x8, v2;
	v1 =	vmul.u32 $0x8, v1;
	s24 =	simm.s32 $0x8;
	s25 =	simm.s32 $0x3;
	s15 =	smax.u32 s0, $0x1  }
.LBB2_1:
0x29: {  	s14 =	rddreg [dreg:$0x4];
	s26 =	simm.s32 $0xF  }
0x2a: {  	[tilespmem:s3], [sflag:$0xF] =	stream.linear.gather [hbm4b:s14+s3], $0x200, $0x38;
	[tilespmem:$0x1C200] =	vst v63  }
0x2b: {  	_ =	swait.ge [sflag:s26], $0x200  }
0x2c: {  	[sflag:s26] =	ssyncset.done $0x0  }
0x2d: {  	[sflag:s26] =	ssyncadd.s32 $0xFFFFFE00  }
0x2e: {  	v3 =	vld [tilespmem:$0x0];
	_ =	sdelay $0x4  }
0x2f: {  	v4 =	vshll.u32 v3, $0x3  }
0x30: {  	v3 =	vand.u32 $0x7, v3;
	v4 =	vand.u32 $0xFFFFFFC0, v4  }
0x31: {  	v3 =	vor.u32 v3, v4  }
0x32: {  	v4 =	vperm.xlane v3, v0;
	_ =	sdelay $0x1  }
0x33: {  	v4 =	vadd.s32 v1, v4;
	_ =	sdelay $0x3  }
0x34: {  	s4 =	simm.s32 $0x200  }
0x35: {  	[tilespmem:s4], [sflag:$0x1] =	stream.indirect_vreg.gather [hbm4b:s2+s3], $0x80, v4, vm0, $0xb8;
	[tilespmem:$0x1C200] =	vst v63  }
0x36: {  	s0 =	simm.s32 $0xA00;
	v3 =	vperm.xlane v3, v2  }
0x37: {  	[tilespmem:s0], [sflag:$0x1] =	stream.indirect_vreg.gather [hbm4b:s5+s3], $0x80, v4, vm0, $0xb8;
	[tilespmem:$0x1C200] =	vst v63  }
0x38: {  	s31 =	simm.s32 $0x1200;
	v3 =	vadd.s32 v1, v3  }
0x39: {  	[tilespmem:s31], [sflag:$0x1] =	stream.indirect_vreg.gather [hbm4b:s6+s3], $0x80, v4, vm0, $0xb8;
	[tilespmem:$0x1C200] =	vst v63  }
0x3a: {  	s4 =	simm.s32 $0x1A00  }
0x3b: {  	[tilespmem:s4], [sflag:$0x1] =	stream.indirect_vreg.gather [hbm4b:s7+s3], $0x80, v4, vm0, $0xb8;
	[tilespmem:$0x1C200] =	vst v63  }
0x3c: {  	s8 =	simm.s32 $0x2200  }
0x3d: {  	[tilespmem:s8], [sflag:$0x1] =	stream.indirect_vreg.gather [hbm4b:s2+s3], $0x80, v3, vm0, $0xb8;
	[tilespmem:$0x1C200] =	vst v63  }
0x3e: {  	s9 =	simm.s32 $0x2A00  }
0x3f: {  	[tilespmem:s9], [sflag:$0x1] =	stream.indirect_vreg.gather [hbm4b:s5+s3], $0x80, v3, vm0, $0xb8;
	[tilespmem:$0x1C200] =	vst v63  }
0x40: {  	s10 =	simm.s32 $0x3200  }
0x41: {  	[tilespmem:s10], [sflag:$0x1] =	stream.indirect_vreg.gather [hbm4b:s6+s3], $0x80, v3, vm0, $0xb8;
	[tilespmem:$0x1C200] =	vst v63  }
0x42: {  	s13 =	simm.s32 $0x3A00  }
0x43: {  	[tilespmem:s13], [sflag:$0x1] =	stream.indirect_vreg.gather [hbm4b:s7+s3], $0x80, v3, vm0, $0xb8;
	[tilespmem:$0x1C200] =	vst v63  }
0x44: {  	v3 =	vld [tilespmem:$0x10];
	_ =	sdelay $0x4  }
0x45: {  	v33 =	vshll.u32 v3, $0x3  }
0x46: {  	v3 =	vand.u32 $0x7, v3;
	v4 =	vand.u32 $0xFFFFFFC0, v33  }
0x47: {  	v3 =	vor.u32 v3, v4  }
0x48: {  	v4 =	vperm.xlane v3, v0;
	_ =	sdelay $0x1  }
0x49: {  	v4 =	vadd.s32 v1, v4;
	_ =	sdelay $0x3  }
0x4a: {  	s14 =	simm.s32 $0x4200  }
0x4b: {  	[tilespmem:s14], [sflag:$0x2] =	stream.indirect_vreg.gather [hbm4b:s2+s3], $0x80, v4, vm0, $0xb8;
	[tilespmem:$0x1C200] =	vst v63  }
0x4c: {  	s20 =	simm.s32 $0x4A00;
	v3 =	vperm.xlane v3, v2  }
0x4d: {  	[tilespmem:s20], [sflag:$0x2] =	stream.indirect_vreg.gather [hbm4b:s5+s3], $0x80, v4, vm0, $0xb8;
	[tilespmem:$0x1C200] =	vst v63  }
0x4e: {  	s26 =	simm.s32 $0x5200;
	v3 =	vadd.s32 v1, v3  }
0x4f: {  	[tilespmem:s26], [sflag:$0x2] =	stream.indirect_vreg.gather [hbm4b:s6+s3], $0x80, v4, vm0, $0xb8;
	[tilespmem:$0x1C200] =	vst v63  }
0x50: {  	s31 =	simm.s32 $0x5A00  }
0x51: {  	[tilespmem:s31], [sflag:$0x2] =	stream.indirect_vreg.gather [hbm4b:s7+s3], $0x80, v4, vm0, $0xb8;
	[tilespmem:$0x1C200] =	vst v63  }
0x52: {  	s8 =	simm.s32 $0x6200  }
0x53: {  	[tilespmem:s8], [sflag:$0x2] =	stream.indirect_vreg.gather [hbm4b:s2+s3], $0x80, v3, vm0, $0xb8;
	[tilespmem:$0x1C200] =	vst v63  }
0x54: {  	s9 =	simm.s32 $0x6A00  }
0x55: {  	[tilespmem:s9], [sflag:$0x2] =	stream.indirect_vreg.gather [hbm4b:s5+s3], $0x80, v3, vm0, $0xb8;
	[tilespmem:$0x1C200] =	vst v63  }
0x56: {  	s10 =	simm.s32 $0x7200  }
0x57: {  	[tilespmem:s10], [sflag:$0x2] =	stream.indirect_vreg.gather [hbm4b:s6+s3], $0x80, v3, vm0, $0xb8;
	[tilespmem:$0x1C200] =	vst v63  }
0x58: {  	s13 =	simm.s32 $0x7A00  }
0x59: {  	[tilespmem:s13], [sflag:$0x2] =	stream.indirect_vreg.gather [hbm4b:s7+s3], $0x80, v3, vm0, $0xb8;
	[tilespmem:$0x1C200] =	vst v63  }
0x5a: {  	v3 =	vld [tilespmem:$0x20];
	_ =	sdelay $0x4  }
0x5b: {  	v34 =	vshll.u32 v3, $0x3  }
0x5c: {  	v3 =	vand.u32 $0x7, v3;
	v4 =	vand.u32 $0xFFFFFFC0, v34  }
0x5d: {  	v3 =	vor.u32 v3, v4  }
0x5e: {  	v4 =	vperm.xlane v3, v0;
	_ =	sdelay $0x1  }
0x5f: {  	v4 =	vadd.s32 v1, v4;
	_ =	sdelay $0x3  }
0x60: {  	s14 =	simm.s32 $0x8200  }
0x61: {  	[tilespmem:s14], [sflag:$0x3] =	stream.indirect_vreg.gather [hbm4b:s2+s3], $0x80, v4, vm0, $0xb8;
	[tilespmem:$0x1C200] =	vst v63  }
0x62: {  	s10 =	simm.s32 $0x8A00;
	v3 =	vperm.xlane v3, v2  }
0x63: {  	[tilespmem:s10], [sflag:$0x3] =	stream.indirect_vreg.gather [hbm4b:s5+s3], $0x80, v4, vm0, $0xb8;
	[tilespmem:$0x1C200] =	vst v63  }
0x64: {  	s26 =	simm.s32 $0x9200;
	v3 =	vadd.s32 v1, v3  }
0x65: {  	[tilespmem:s26], [sflag:$0x3] =	stream.indirect_vreg.gather [hbm4b:s6+s3], $0x80, v4, vm0, $0xb8;
	[tilespmem:$0x1C200] =	vst v63  }
0x66: {  	s4 =	simm.s32 $0x9A00  }
0x67: {  	[tilespmem:s4], [sflag:$0x3] =	stream.indirect_vreg.gather [hbm4b:s7+s3], $0x80, v4, vm0, $0xb8;
	[tilespmem:$0x1C200] =	vst v63  }
0x68: {  	s8 =	simm.s32 $0xA200  }
0x69: {  	[tilespmem:s8], [sflag:$0x3] =	stream.indirect_vreg.gather [hbm4b:s2+s3], $0x80, v3, vm0, $0xb8;
	[tilespmem:$0x1C200] =	vst v63  }
0x6a: {  	s9 =	simm.s32 $0xAA00  }
0x6b: {  	[tilespmem:s9], [sflag:$0x3] =	stream.indirect_vreg.gather [hbm4b:s5+s3], $0x80, v3, vm0, $0xb8;
	[tilespmem:$0x1C200] =	vst v63  }
0x6c: {  	s13 =	simm.s32 $0xB200  }
0x6d: {  	[tilespmem:s13], [sflag:$0x3] =	stream.indirect_vreg.gather [hbm4b:s6+s3], $0x80, v3, vm0, $0xb8;
	[tilespmem:$0x1C200] =	vst v63  }
0x6e: {  	s14 =	simm.s32 $0xBA00  }
0x6f: {  	[tilespmem:s14], [sflag:$0x3] =	stream.indirect_vreg.gather [hbm4b:s7+s3], $0x80, v3, vm0, $0xb8;
	[tilespmem:$0x1C200] =	vst v63  }
0x70: {  	v3 =	vld [tilespmem:$0x30];
	_ =	sdelay $0x4  }
0x71: {  	v35 =	vshll.u32 v3, $0x3  }
0x72: {  	v3 =	vand.u32 $0x7, v3;
	v4 =	vand.u32 $0xFFFFFFC0, v35  }
0x73: {  	v3 =	vor.u32 v3, v4  }
0x74: {  	v4 =	vperm.xlane v3, v0;
	_ =	sdelay $0x1  }
0x75: {  	v4 =	vadd.s32 v1, v4;
	_ =	sdelay $0x3  }
0x76: {  	s26 =	simm.s32 $0xC200  }
0x77: {  	[tilespmem:s26], [sflag:$0x4] =	stream.indirect_vreg.gather [hbm4b:s2+s3], $0x80, v4, vm0, $0xb8;
	[tilespmem:$0x1C200] =	vst v63  }
0x78: {  	s8 =	simm.s32 $0xCA00;
	v3 =	vperm.xlane v3, v2  }
0x79: {  	[tilespmem:s8], [sflag:$0x4] =	stream.indirect_vreg.gather [hbm4b:s5+s3], $0x80, v4, vm0, $0xb8;
	[tilespmem:$0x1C200] =	vst v63  }
0x7a: {  	s9 =	simm.s32 $0xD200;
	v3 =	vadd.s32 v1, v3  }
0x7b: {  	[tilespmem:s9], [sflag:$0x4] =	stream.indirect_vreg.gather [hbm4b:s6+s3], $0x80, v4, vm0, $0xb8;
	[tilespmem:$0x1C200] =	vst v63  }
0x7c: {  	s10 =	simm.s32 $0xDA00  }
0x7d: {  	[tilespmem:s10], [sflag:$0x4] =	stream.indirect_vreg.gather [hbm4b:s7+s3], $0x80, v4, vm0, $0xb8;
	[tilespmem:$0x1C200] =	vst v63  }
0x7e: {  	s13 =	simm.s32 $0xE200  }
0x7f: {  	[tilespmem:s13], [sflag:$0x4] =	stream.indirect_vreg.gather [hbm4b:s2+s3], $0x80, v3, vm0, $0xb8;
	[tilespmem:$0x1C200] =	vst v63  }
0x80: {  	s26 =	simm.s32 $0xEA00  }
0x81: {  	[tilespmem:s26], [sflag:$0x4] =	stream.indirect_vreg.gather [hbm4b:s5+s3], $0x80, v3, vm0, $0xb8;
	[tilespmem:$0x1C200] =	vst v63  }
0x82: {  	s4 =	simm.s32 $0xF200  }
0x83: {  	[tilespmem:s4], [sflag:$0x4] =	stream.indirect_vreg.gather [hbm4b:s6+s3], $0x80, v3, vm0, $0xb8;
	[tilespmem:$0x1C200] =	vst v63  }
0x84: {  	s8 =	simm.s32 $0xFA00  }
0x85: {  	[tilespmem:s8], [sflag:$0x4] =	stream.indirect_vreg.gather [hbm4b:s7+s3], $0x80, v3, vm0, $0xb8;
	[tilespmem:$0x1C200] =	vst v63  }
0x86: {  	v3 =	vld [tilespmem:$0x40];
	_ =	sdelay $0x4  }
0x87: {  	v36 =	vshll.u32 v3, $0x3  }
0x88: {  	v3 =	vand.u32 $0x7, v3;
	v4 =	vand.u32 $0xFFFFFFC0, v36  }
0x89: {  	v3 =	vor.u32 v3, v4  }
0x8a: {  	v4 =	vperm.xlane v3, v0;
	_ =	sdelay $0x1  }
0x8b: {  	v4 =	vadd.s32 v1, v4;
	_ =	sdelay $0x3  }
0x8c: {  	s9 =	simm.s32 $0x10200  }
0x8d: {  	[tilespmem:s9], [sflag:$0x5] =	stream.indirect_vreg.gather [hbm4b:s2+s3], $0x80, v4, vm0, $0xb8;
	[tilespmem:$0x1C200] =	vst v63  }
0x8e: {  	s13 =	simm.s32 $0x10A00;
	v3 =	vperm.xlane v3, v2  }
0x8f: {  	[tilespmem:s13], [sflag:$0x5] =	stream.indirect_vreg.gather [hbm4b:s5+s3], $0x80, v4, vm0, $0xb8;
	[tilespmem:$0x1C200] =	vst v63  }
0x90: {  	s14 =	simm.s32 $0x11200;
	v3 =	vadd.s32 v1, v3  }
0x91: {  	[tilespmem:s14], [sflag:$0x5] =	stream.indirect_vreg.gather [hbm4b:s6+s3], $0x80, v4, vm0, $0xb8;
	[tilespmem:$0x1C200] =	vst v63  }
0x92: {  	s26 =	simm.s32 $0x11A00  }
0x93: {  	[tilespmem:s26], [sflag:$0x5] =	stream.indirect_vreg.gather [hbm4b:s7+s3], $0x80, v4, vm0, $0xb8;
	[tilespmem:$0x1C200] =	vst v63  }
0x94: {  	s8 =	simm.s32 $0x12200  }
0x95: {  	[tilespmem:s8], [sflag:$0x5] =	stream.indirect_vreg.gather [hbm4b:s2+s3], $0x80, v3, vm0, $0xb8;
	[tilespmem:$0x1C200] =	vst v63  }
0x96: {  	s9 =	simm.s32 $0x12A00  }
0x97: {  	[tilespmem:s9], [sflag:$0x5] =	stream.indirect_vreg.gather [hbm4b:s5+s3], $0x80, v3, vm0, $0xb8;
	[tilespmem:$0x1C200] =	vst v63  }
0x98: {  	s10 =	simm.s32 $0x13200  }
0x99: {  	[tilespmem:s10], [sflag:$0x5] =	stream.indirect_vreg.gather [hbm4b:s6+s3], $0x80, v3, vm0, $0xb8;
	[tilespmem:$0x1C200] =	vst v63  }
0x9a: {  	s14 =	simm.s32 $0x13A00  }
0x9b: {  	[tilespmem:s14], [sflag:$0x5] =	stream.indirect_vreg.gather [hbm4b:s7+s3], $0x80, v3, vm0, $0xb8;
	[tilespmem:$0x1C200] =	vst v63  }
0x9c: {  	v3 =	vld [tilespmem:$0x50];
	_ =	sdelay $0x4  }
0x9d: {  	v37 =	vshll.u32 v3, $0x3  }
0x9e: {  	v3 =	vand.u32 $0x7, v3;
	v4 =	vand.u32 $0xFFFFFFC0, v37  }
0x9f: {  	v3 =	vor.u32 v3, v4  }
0xa0: {  	v4 =	vperm.xlane v3, v0;
	_ =	sdelay $0x1  }
0xa1: {  	v4 =	vadd.s32 v1, v4;
	_ =	sdelay $0x3  }
0xa2: {  	s9 =	simm.s32 $0x14200  }
0xa3: {  	[tilespmem:s9], [sflag:$0x6] =	stream.indirect_vreg.gather [hbm4b:s2+s3], $0x80, v4, vm0, $0xb8;
	[tilespmem:$0x1C200] =	vst v63  }
0xa4: {  	s8 =	simm.s32 $0x14A00;
	v3 =	vperm.xlane v3, v2  }
0xa5: {  	[tilespmem:s8], [sflag:$0x6] =	stream.indirect_vreg.gather [hbm4b:s5+s3], $0x80, v4, vm0, $0xb8;
	[tilespmem:$0x1C200] =	vst v63  }
0xa6: {  	v3 =	vadd.s32 v1, v3;
	s9 =	simm.s32 $0x15200  }
0xa7: {  	[tilespmem:s9], [sflag:$0x6] =	stream.indirect_vreg.gather [hbm4b:s6+s3], $0x80, v4, vm0, $0xb8;
	[tilespmem:$0x1C200] =	vst v63  }
0xa8: {  	s10 =	simm.s32 $0x15A00  }
0xa9: {  	[tilespmem:s10], [sflag:$0x6] =	stream.indirect_vreg.gather [hbm4b:s7+s3], $0x80, v4, vm0, $0xb8;
	[tilespmem:$0x1C200] =	vst v63  }
0xaa: {  	s14 =	simm.s32 $0x16200  }
0xab: {  	[tilespmem:s14], [sflag:$0x6] =	stream.indirect_vreg.gather [hbm4b:s2+s3], $0x80, v3, vm0, $0xb8;
	[tilespmem:$0x1C200] =	vst v63  }
0xac: {  	s8 =	simm.s32 $0x16A00  }
0xad: {  	[tilespmem:s8], [sflag:$0x6] =	stream.indirect_vreg.gather [hbm4b:s5+s3], $0x80, v3, vm0, $0xb8;
	[tilespmem:$0x1C200] =	vst v63  }
0xae: {  	s9 =	simm.s32 $0x17200  }
0xaf: {  	[tilespmem:s9], [sflag:$0x6] =	stream.indirect_vreg.gather [hbm4b:s6+s3], $0x80, v3, vm0, $0xb8;
	[tilespmem:$0x1C200] =	vst v63  }
0xb0: {  	s10 =	simm.s32 $0x17A00  }
0xb1: {  	[tilespmem:s10], [sflag:$0x6] =	stream.indirect_vreg.gather [hbm4b:s7+s3], $0x80, v3, vm0, $0xb8;
	[tilespmem:$0x1C200] =	vst v63  }
0xb2: {  	_ =	swait.ge [sflag:s21], $0x4000  }
0xb3: {  	[sflag:s21] =	ssyncset.done $0x0  }
0xb4: {  	[sflag:s21] =	ssyncadd.s32 $0xFFFFC000  }
0xb5: {  	v3 =	vld [tilespmem:$0x60];
	_ =	sdelay $0x4  }
0xb6: {  	v38 =	vshll.u32 v3, $0x3  }
0xb7: {  	v3 =	vand.u32 $0x7, v3;
	v4 =	vand.u32 $0xFFFFFFC0, v38  }
0xb8: {  	v3 =	vor.u32 v3, v4  }
0xb9: {  	v4 =	vperm.xlane v3, v0;
	_ =	sdelay $0x1  }
0xba: {  	v4 =	vadd.s32 v1, v4;
	_ =	sdelay $0x3  }
0xbb: {  	s14 =	simm.s32 $0x18200  }
0xbc: {  	[tilespmem:s14], [sflag:$0x7] =	stream.indirect_vreg.gather [hbm4b:s2+s3], $0x80, v4, vm0, $0xb8;
	[tilespmem:$0x1C200] =	vst v63  }
0xbd: {  	s8 =	simm.s32 $0x18A00;
	v3 =	vperm.xlane v3, v2  }
0xbe: {  	[tilespmem:s8], [sflag:$0x7] =	stream.indirect_vreg.gather [hbm4b:s5+s3], $0x80, v4, vm0, $0xb8;
	[tilespmem:$0x1C200] =	vst v63  }
0xbf: {  	s4 =	simm.s32 $0x19200;
	v3 =	vadd.s32 v1, v3  }
0xc0: {  	[tilespmem:s4], [sflag:$0x7] =	stream.indirect_vreg.gather [hbm4b:s6+s3], $0x80, v4, vm0, $0xb8;
	[tilespmem:$0x1C200] =	vst v63  }
0xc1: {  	s9 =	simm.s32 $0x19A00  }
0xc2: {  	[tilespmem:s9], [sflag:$0x7] =	stream.indirect_vreg.gather [hbm4b:s7+s3], $0x80, v4, vm0, $0xb8;
	[tilespmem:$0x1C200] =	vst v63  }
0xc3: {  	s10 =	simm.s32 $0x1A200  }
0xc4: {  	[tilespmem:s10], [sflag:$0x7] =	stream.indirect_vreg.gather [hbm4b:s2+s3], $0x80, v3, vm0, $0xb8;
	[tilespmem:$0x1C200] =	vst v63  }
0xc5: {  	s14 =	simm.s32 $0x1AA00  }
0xc6: {  	[tilespmem:s14], [sflag:$0x7] =	stream.indirect_vreg.gather [hbm4b:s5+s3], $0x80, v3, vm0, $0xb8;
	[tilespmem:$0x1C200] =	vst v63  }
0xc7: {  	s4 =	simm.s32 $0x1B200  }
0xc8: {  	[tilespmem:s4], [sflag:$0x7] =	stream.indirect_vreg.gather [hbm4b:s6+s3], $0x80, v3, vm0, $0xb8;
	[tilespmem:$0x1C200] =	vst v63  }
0xc9: {  	s8 =	simm.s32 $0x1BA00;
	s9 =	sld [smem:$0x7FC]  }
0xca: {  	[tilespmem:s8], [sflag:$0x7] =	stream.indirect_vreg.gather [hbm4b:s7+s3], $0x80, v3, vm0, $0xb8;
	[tilespmem:$0x1C200] =	vst v63  }
0xcb: {  	s10 =	simm.s32 $0x200  }
0xcc: {  	[hbm4b:s9+s3] =	stream.linear.scatter [tilespmem:s10], [sflag:$0x8], $0x4000, $0x38;
	[tilespmem:$0x1C200] =	vst v63  }
0xcd: {  	_ =	swait.ge [sflag:s23], $0x4000  }
0xce: {  	[sflag:s23] =	ssyncset.done $0x0  }
0xcf: {  	[sflag:s23] =	ssyncadd.s32 $0xFFFFC000  }
0xd0: {  	_ =	swait.ge [sflag:s24], $0x4000  }
0xd1: {  	[sflag:s24] =	ssyncset.done $0x0  }
0xd2: {  	[sflag:s24] =	ssyncadd.s32 $0xFFFFC000  }
0xd3: {  	v3 =	vld [tilespmem:$0x70];
	_ =	sdelay $0x4  }
0xd4: {  	v39 =	vshll.u32 v3, $0x3  }
0xd5: {  	v3 =	vand.u32 $0x7, v3;
	v4 =	vand.u32 $0xFFFFFFC0, v39  }
0xd6: {  	v3 =	vor.u32 v3, v4  }
0xd7: {  	v4 =	vperm.xlane v3, v0;
	_ =	sdelay $0x1  }
0xd8: {  	v4 =	vadd.s32 v1, v4;
	_ =	sdelay $0x4  }
0xd9: {  	[tilespmem:s10], [sflag:$0x1] =	stream.indirect_vreg.gather [hbm4b:s2+s3], $0x80, v4, vm0, $0xb8;
	[tilespmem:$0x1C200] =	vst v63  }
0xda: {  	s11 =	simm.s32 $0xA00;
	v3 =	vperm.xlane v3, v2  }
0xdb: {  	[tilespmem:s11], [sflag:$0x1] =	stream.indirect_vreg.gather [hbm4b:s5+s3], $0x80, v4, vm0, $0xb8;
	[tilespmem:$0x1C200] =	vst v63  }
0xdc: {  	s18 =	simm.s32 $0x1200;
	v3 =	vadd.s32 v1, v3  }
0xdd: {  	[tilespmem:s18], [sflag:$0x1] =	stream.indirect_vreg.gather [hbm4b:s6+s3], $0x80, v4, vm0, $0xb8;
	[tilespmem:$0x1C200] =	vst v63  }
0xde: {  	s22 =	simm.s32 $0x1A00  }
0xdf: {  	[tilespmem:s22], [sflag:$0x1] =	stream.indirect_vreg.gather [hbm4b:s7+s3], $0x80, v4, vm0, $0xb8;
	[tilespmem:$0x1C200] =	vst v63  }
0xe0: {  	s17 =	simm.s32 $0x2200  }
0xe1: {  	[tilespmem:s17], [sflag:$0x1] =	stream.indirect_vreg.gather [hbm4b:s2+s3], $0x80, v3, vm0, $0xb8;
	[tilespmem:$0x1C200] =	vst v63  }
0xe2: {  	s12 =	simm.s32 $0x2A00  }
0xe3: {  	[tilespmem:s12], [sflag:$0x1] =	stream.indirect_vreg.gather [hbm4b:s5+s3], $0x80, v3, vm0, $0xb8;
	[tilespmem:$0x1C200] =	vst v63  }
0xe4: {  	s16 =	simm.s32 $0x3200  }
0xe5: {  	[tilespmem:s16], [sflag:$0x1] =	stream.indirect_vreg.gather [hbm4b:s6+s3], $0x80, v3, vm0, $0xb8;
	[tilespmem:$0x1C200] =	vst v63  }
0xe6: {  	s19 =	simm.s32 $0x3A00  }
0xe7: {  	[tilespmem:s19], [sflag:$0x1] =	stream.indirect_vreg.gather [hbm4b:s7+s3], $0x80, v3, vm0, $0xb8;
	[tilespmem:$0x1C200] =	vst v63  }
0xe8: {  	s11 =	rddreg [dreg:$0x5];
	s12 =	simm.s32 $0x4200  }
0xe9: {  	[hbm4b:s11+s3] =	stream.linear.scatter [tilespmem:s12], [sflag:$0x9], $0x4000, $0x38;
	[tilespmem:$0x1C200] =	vst v63  }
0xea: {  	_ =	swait.ge [sflag:s25], $0x4000  }
0xeb: {  	[sflag:s25] =	ssyncset.done $0x0  }
0xec: {  	[sflag:s25] =	ssyncadd.s32 $0xFFFFC000  }
0xed: {  	_ =	swait.ge [sflag:s28], $0x4000  }
0xee: {  	[sflag:s28] =	ssyncset.done $0x0  }
0xef: {  	[sflag:s28] =	ssyncadd.s32 $0xFFFFC000  }
0xf0: {  	v3 =	vld [tilespmem:$0x80];
	_ =	sdelay $0x4  }
0xf1: {  	v40 =	vshll.u32 v3, $0x3  }
0xf2: {  	v3 =	vand.u32 $0x7, v3;
	v4 =	vand.u32 $0xFFFFFFC0, v40  }
0xf3: {  	v3 =	vor.u32 v3, v4  }
0xf4: {  	v4 =	vperm.xlane v3, v0;
	_ =	sdelay $0x1  }
0xf5: {  	v4 =	vadd.s32 v1, v4;
	_ =	sdelay $0x4  }
0xf6: {  	[tilespmem:s12], [sflag:$0x2] =	stream.indirect_vreg.gather [hbm4b:s2+s3], $0x80, v4, vm0, $0xb8;
	[tilespmem:$0x1C200] =	vst v63  }
0xf7: {  	s0 =	simm.s32 $0x4A00;
	v3 =	vperm.xlane v3, v2  }
0xf8: {  	[tilespmem:s0], [sflag:$0x2] =	stream.indirect_vreg.gather [hbm4b:s5+s3], $0x80, v4, vm0, $0xb8;
	[tilespmem:$0x1C200] =	vst v63  }
0xf9: {  	s14 =	simm.s32 $0x5200;
	v3 =	vadd.s32 v1, v3  }
0xfa: {  	[tilespmem:s14], [sflag:$0x2] =	stream.indirect_vreg.gather [hbm4b:s6+s3], $0x80, v4, vm0, $0xb8;
	[tilespmem:$0x1C200] =	vst v63  }
0xfb: {  	s16 =	simm.s32 $0x5A00  }
0xfc: {  	[tilespmem:s16], [sflag:$0x2] =	stream.indirect_vreg.gather [hbm4b:s7+s3], $0x80, v4, vm0, $0xb8;
	[tilespmem:$0x1C200] =	vst v63  }
0xfd: {  	s20 =	simm.s32 $0x6200  }
0xfe: {  	[tilespmem:s20], [sflag:$0x2] =	stream.indirect_vreg.gather [hbm4b:s2+s3], $0x80, v3, vm0, $0xb8;
	[tilespmem:$0x1C200] =	vst v63  }
0xff: {  	s10 =	simm.s32 $0x6A00  }
0x100: {  	[tilespmem:s10], [sflag:$0x2] =	stream.indirect_vreg.gather [hbm4b:s5+s3], $0x80, v3, vm0, $0xb8;
	[tilespmem:$0x1C200] =	vst v63  }
0x101: {  	s18 =	simm.s32 $0x7200  }
0x102: {  	[tilespmem:s18], [sflag:$0x2] =	stream.indirect_vreg.gather [hbm4b:s6+s3], $0x80, v3, vm0, $0xb8;
	[tilespmem:$0x1C200] =	vst v63  }
0x103: {  	s20 =	simm.s32 $0x7A00  }
0x104: {  	[tilespmem:s20], [sflag:$0x2] =	stream.indirect_vreg.gather [hbm4b:s7+s3], $0x80, v3, vm0, $0xb8;
	[tilespmem:$0x1C200] =	vst v63  }
0x105: {  	s22 =	simm.s32 $0x8200;
	s19 =	rddreg [dreg:$0x6]  }
0x106: {  	[hbm4b:s19+s3] =	stream.linear.scatter [tilespmem:s22], [sflag:$0xA], $0x4000, $0x38;
	[tilespmem:$0x1C200] =	vst v63  }
0x107: {  	_ =	swait.ge [sflag:s29], $0x4000  }
0x108: {  	[sflag:s29] =	ssyncset.done $0x0  }
0x109: {  	[sflag:s29] =	ssyncadd.s32 $0xFFFFC000  }
0x10a: {  	_ =	swait.ge [sflag:s30], $0x4000  }
0x10b: {  	[sflag:s30] =	ssyncset.done $0x0  }
0x10c: {  	[sflag:s30] =	ssyncadd.s32 $0xFFFFC000  }
0x10d: {  	v3 =	vld [tilespmem:$0x90];
	_ =	sdelay $0x4  }
0x10e: {  	v41 =	vshll.u32 v3, $0x3  }
0x10f: {  	v3 =	vand.u32 $0x7, v3;
	v4 =	vand.u32 $0xFFFFFFC0, v41  }
0x110: {  	v3 =	vor.u32 v3, v4  }
0x111: {  	v4 =	vperm.xlane v3, v0;
	_ =	sdelay $0x1  }
0x112: {  	v4 =	vadd.s32 v1, v4;
	_ =	sdelay $0x4  }
0x113: {  	[tilespmem:s22], [sflag:$0x3] =	stream.indirect_vreg.gather [hbm4b:s2+s3], $0x80, v4, vm0, $0xb8;
	[tilespmem:$0x1C200] =	vst v63  }
0x114: {  	s31 =	simm.s32 $0x8A00;
	v3 =	vperm.xlane v3, v2  }
0x115: {  	[tilespmem:s31], [sflag:$0x3] =	stream.indirect_vreg.gather [hbm4b:s5+s3], $0x80, v4, vm0, $0xb8;
	[tilespmem:$0x1C200] =	vst v63  }
0x116: {  	v3 =	vadd.s32 v1, v3;
	s31 =	simm.s32 $0x9200  }
0x117: {  	[tilespmem:s31], [sflag:$0x3] =	stream.indirect_vreg.gather [hbm4b:s6+s3], $0x80, v4, vm0, $0xb8;
	[tilespmem:$0x1C200] =	vst v63  }
0x118: {  	s4 =	simm.s32 $0x9A00  }
0x119: {  	[tilespmem:s4], [sflag:$0x3] =	stream.indirect_vreg.gather [hbm4b:s7+s3], $0x80, v4, vm0, $0xb8;
	[tilespmem:$0x1C200] =	vst v63  }
0x11a: {  	s16 =	simm.s32 $0xA200  }
0x11b: {  	[tilespmem:s16], [sflag:$0x3] =	stream.indirect_vreg.gather [hbm4b:s2+s3], $0x80, v3, vm0, $0xb8;
	[tilespmem:$0x1C200] =	vst v63  }
0x11c: {  	s31 =	simm.s32 $0xAA00  }
0x11d: {  	[tilespmem:s31], [sflag:$0x3] =	stream.indirect_vreg.gather [hbm4b:s5+s3], $0x80, v3, vm0, $0xb8;
	[tilespmem:$0x1C200] =	vst v63  }
0x11e: {  	s8 =	simm.s32 $0xB200  }
0x11f: {  	[tilespmem:s8], [sflag:$0x3] =	stream.indirect_vreg.gather [hbm4b:s6+s3], $0x80, v3, vm0, $0xb8;
	[tilespmem:$0x1C200] =	vst v63  }
0x120: {  	s11 =	simm.s32 $0xBA00  }
0x121: {  	[tilespmem:s11], [sflag:$0x3] =	stream.indirect_vreg.gather [hbm4b:s7+s3], $0x80, v3, vm0, $0xb8;
	[tilespmem:$0x1C200] =	vst v63  }
0x122: {  	s12 =	simm.s32 $0xC200;
	s0 =	simm.s32 $0x5;
	s9 =	rddreg [dreg:$0x7]  }
0x123: {  	[hbm4b:s9+s3] =	stream.linear.scatter [tilespmem:s12], [sflag:$0xB], $0x4000, $0x38;
	[tilespmem:$0x1C200] =	vst v63  }
0x124: {  	_ =	swait.ge [sflag:s0], $0x4000  }
0x125: {  	[sflag:s0] =	ssyncset.done $0x0  }
0x126: {  	[sflag:s0] =	ssyncadd.s32 $0xFFFFC000  }
0x127: {  	_ =	swait.ge [sflag:s1], $0x4000  }
0x128: {  	[sflag:s1] =	ssyncset.done $0x0  }
0x129: {  	[sflag:s1] =	ssyncadd.s32 $0xFFFFC000  }
0x12a: {  	v3 =	vld [tilespmem:$0xA0];
	_ =	sdelay $0x4  }
0x12b: {  	v42 =	vshll.u32 v3, $0x3  }
0x12c: {  	v3 =	vand.u32 $0x7, v3;
	v4 =	vand.u32 $0xFFFFFFC0, v42  }
0x12d: {  	v3 =	vor.u32 v3, v4  }
0x12e: {  	v4 =	vperm.xlane v3, v0;
	_ =	sdelay $0x1  }
0x12f: {  	v4 =	vadd.s32 v1, v4;
	_ =	sdelay $0x4  }
0x130: {  	[tilespmem:s12], [sflag:$0x4] =	stream.indirect_vreg.gather [hbm4b:s2+s3], $0x80, v4, vm0, $0xb8;
	[tilespmem:$0x1C200] =	vst v63  }
0x131: {  	s14 =	simm.s32 $0xCA00;
	v3 =	vperm.xlane v3, v2  }
0x132: {  	[tilespmem:s14], [sflag:$0x4] =	stream.indirect_vreg.gather [hbm4b:s5+s3], $0x80, v4, vm0, $0xb8;
	[tilespmem:$0x1C200] =	vst v63  }
0x133: {  	s18 =	simm.s32 $0xD200;
	v3 =	vadd.s32 v1, v3  }
0x134: {  	[tilespmem:s18], [sflag:$0x4] =	stream.indirect_vreg.gather [hbm4b:s6+s3], $0x80, v4, vm0, $0xb8;
	[tilespmem:$0x1C200] =	vst v63  }
0x135: {  	s19 =	simm.s32 $0xDA00  }
0x136: {  	[tilespmem:s19], [sflag:$0x4] =	stream.indirect_vreg.gather [hbm4b:s7+s3], $0x80, v4, vm0, $0xb8;
	[tilespmem:$0x1C200] =	vst v63  }
0x137: {  	s20 =	simm.s32 $0xE200  }
0x138: {  	[tilespmem:s20], [sflag:$0x4] =	stream.indirect_vreg.gather [hbm4b:s2+s3], $0x80, v3, vm0, $0xb8;
	[tilespmem:$0x1C200] =	vst v63  }
0x139: {  	s22 =	simm.s32 $0xEA00  }
0x13a: {  	[tilespmem:s22], [sflag:$0x4] =	stream.indirect_vreg.gather [hbm4b:s5+s3], $0x80, v3, vm0, $0xb8;
	[tilespmem:$0x1C200] =	vst v63  }
0x13b: {  	s8 =	simm.s32 $0xF200  }
0x13c: {  	[tilespmem:s8], [sflag:$0x4] =	stream.indirect_vreg.gather [hbm4b:s6+s3], $0x80, v3, vm0, $0xb8;
	[tilespmem:$0x1C200] =	vst v63  }
0x13d: {  	s11 =	simm.s32 $0xFA00  }
0x13e: {  	[tilespmem:s11], [sflag:$0x4] =	stream.indirect_vreg.gather [hbm4b:s7+s3], $0x80, v3, vm0, $0xb8;
	[tilespmem:$0x1C200] =	vst v63  }
0x13f: {  	s9 =	rddreg [dreg:$0x8];
	s12 =	simm.s32 $0x10200  }
0x140: {  	[hbm4b:s9+s3] =	stream.linear.scatter [tilespmem:s12], [sflag:$0xC], $0x4000, $0x38;
	[tilespmem:$0x1C200] =	vst v63  }
0x141: {  	s9 =	simm.s32 $0x6  }
0x142: {  	_ =	swait.ge [sflag:s9], $0x4000  }
0x143: {  	[sflag:s9] =	ssyncset.done $0x0  }
0x144: {  	s11 =	simm.s32 $0xC;
	[sflag:s9] =	ssyncadd.s32 $0xFFFFC000  }
0x145: {  	_ =	swait.ge [sflag:s11], $0x4000  }
0x146: {  	[sflag:s11] =	ssyncset.done $0x0  }
0x147: {  	[sflag:s11] =	ssyncadd.s32 $0xFFFFC000  }
0x148: {  	v3 =	vld [tilespmem:$0xB0];
	_ =	sdelay $0x4  }
0x149: {  	v43 =	vshll.u32 v3, $0x3  }
0x14a: {  	v3 =	vand.u32 $0x7, v3;
	v4 =	vand.u32 $0xFFFFFFC0, v43  }
0x14b: {  	v3 =	vor.u32 v3, v4  }
0x14c: {  	v4 =	vperm.xlane v3, v0;
	_ =	sdelay $0x1  }
0x14d: {  	v4 =	vadd.s32 v1, v4;
	_ =	sdelay $0x4  }
0x14e: {  	[tilespmem:s12], [sflag:$0x5] =	stream.indirect_vreg.gather [hbm4b:s2+s3], $0x80, v4, vm0, $0xb8;
	[tilespmem:$0x1C200] =	vst v63  }
0x14f: {  	s13 =	simm.s32 $0x10A00;
	v3 =	vperm.xlane v3, v2  }
0x150: {  	[tilespmem:s13], [sflag:$0x5] =	stream.indirect_vreg.gather [hbm4b:s5+s3], $0x80, v4, vm0, $0xb8;
	[tilespmem:$0x1C200] =	vst v63  }
0x151: {  	v3 =	vadd.s32 v1, v3;
	s13 =	simm.s32 $0x11200  }
0x152: {  	[tilespmem:s13], [sflag:$0x5] =	stream.indirect_vreg.gather [hbm4b:s6+s3], $0x80, v4, vm0, $0xb8;
	[tilespmem:$0x1C200] =	vst v63  }
0x153: {  	s14 =	simm.s32 $0x11A00  }
0x154: {  	[tilespmem:s14], [sflag:$0x5] =	stream.indirect_vreg.gather [hbm4b:s7+s3], $0x80, v4, vm0, $0xb8;
	[tilespmem:$0x1C200] =	vst v63  }
0x155: {  	s26 =	simm.s32 $0x12200  }
0x156: {  	[tilespmem:s26], [sflag:$0x5] =	stream.indirect_vreg.gather [hbm4b:s2+s3], $0x80, v3, vm0, $0xb8;
	[tilespmem:$0x1C200] =	vst v63  }
0x157: {  	s18 =	simm.s32 $0x12A00  }
0x158: {  	[tilespmem:s18], [sflag:$0x5] =	stream.indirect_vreg.gather [hbm4b:s5+s3], $0x80, v3, vm0, $0xb8;
	[tilespmem:$0x1C200] =	vst v63  }
0x159: {  	s20 =	simm.s32 $0x13200  }
0x15a: {  	[tilespmem:s20], [sflag:$0x5] =	stream.indirect_vreg.gather [hbm4b:s6+s3], $0x80, v3, vm0, $0xb8;
	[tilespmem:$0x1C200] =	vst v63  }
0x15b: {  	s26 =	simm.s32 $0x13A00  }
0x15c: {  	[tilespmem:s26], [sflag:$0x5] =	stream.indirect_vreg.gather [hbm4b:s7+s3], $0x80, v3, vm0, $0xb8;
	[tilespmem:$0x1C200] =	vst v63  }
0x15d: {  	s8 =	simm.s32 $0x14200;
	s22 =	rddreg [dreg:$0x9];
	s12 =	simm.s32 $0x7  }
0x15e: {  	[hbm4b:s22+s3] =	stream.linear.scatter [tilespmem:s8], [sflag:$0xD], $0x4000, $0x38;
	[tilespmem:$0x1C200] =	vst v63  }
0x15f: {  	_ =	swait.ge [sflag:s12], $0x4000  }
0x160: {  	[sflag:s12] =	ssyncset.done $0x0  }
0x161: {  	s13 =	simm.s32 $0xD;
	[sflag:s12] =	ssyncadd.s32 $0xFFFFC000  }
0x162: {  	_ =	swait.ge [sflag:s13], $0x4000  }
0x163: {  	[sflag:s13] =	ssyncset.done $0x0  }
0x164: {  	[sflag:s13] =	ssyncadd.s32 $0xFFFFC000  }
0x165: {  	v3 =	vld [tilespmem:$0xC0];
	_ =	sdelay $0x4  }
0x166: {  	v44 =	vshll.u32 v3, $0x3  }
0x167: {  	v3 =	vand.u32 $0x7, v3;
	v4 =	vand.u32 $0xFFFFFFC0, v44  }
0x168: {  	v3 =	vor.u32 v3, v4  }
0x169: {  	v4 =	vperm.xlane v3, v0;
	_ =	sdelay $0x1  }
0x16a: {  	v4 =	vadd.s32 v1, v4;
	_ =	sdelay $0x4  }
0x16b: {  	[tilespmem:s8], [sflag:$0x6] =	stream.indirect_vreg.gather [hbm4b:s2+s3], $0x80, v4, vm0, $0xb8;
	[tilespmem:$0x1C200] =	vst v63  }
0x16c: {  	s14 =	simm.s32 $0x14A00;
	v3 =	vperm.xlane v3, v2  }
0x16d: {  	[tilespmem:s14], [sflag:$0x6] =	stream.indirect_vreg.gather [hbm4b:s5+s3], $0x80, v4, vm0, $0xb8;
	[tilespmem:$0x1C200] =	vst v63  }
0x16e: {  	s18 =	simm.s32 $0x15200;
	v3 =	vadd.s32 v1, v3  }
0x16f: {  	[tilespmem:s18], [sflag:$0x6] =	stream.indirect_vreg.gather [hbm4b:s6+s3], $0x80, v4, vm0, $0xb8;
	[tilespmem:$0x1C200] =	vst v63  }
0x170: {  	s20 =	simm.s32 $0x15A00  }
0x171: {  	[tilespmem:s20], [sflag:$0x6] =	stream.indirect_vreg.gather [hbm4b:s7+s3], $0x80, v4, vm0, $0xb8;
	[tilespmem:$0x1C200] =	vst v63  }
0x172: {  	s26 =	simm.s32 $0x16200  }
0x173: {  	[tilespmem:s26], [sflag:$0x6] =	stream.indirect_vreg.gather [hbm4b:s2+s3], $0x80, v3, vm0, $0xb8;
	[tilespmem:$0x1C200] =	vst v63  }
0x174: {  	s8 =	simm.s32 $0x16A00  }
0x175: {  	[tilespmem:s8], [sflag:$0x6] =	stream.indirect_vreg.gather [hbm4b:s5+s3], $0x80, v3, vm0, $0xb8;
	[tilespmem:$0x1C200] =	vst v63  }
0x176: {  	s14 =	simm.s32 $0x17200  }
0x177: {  	[tilespmem:s14], [sflag:$0x6] =	stream.indirect_vreg.gather [hbm4b:s6+s3], $0x80, v3, vm0, $0xb8;
	[tilespmem:$0x1C200] =	vst v63  }
0x178: {  	s20 =	simm.s32 $0x17A00  }
0x179: {  	[tilespmem:s20], [sflag:$0x6] =	stream.indirect_vreg.gather [hbm4b:s7+s3], $0x80, v3, vm0, $0xb8;
	[tilespmem:$0x1C200] =	vst v63  }
0x17a: {  	s18 =	rddreg [dreg:$0xa];
	s26 =	simm.s32 $0x18200  }
0x17b: {  	[hbm4b:s18+s3] =	stream.linear.scatter [tilespmem:s26], [sflag:$0xE], $0x4000, $0x38;
	[tilespmem:$0x1C200] =	vst v63  }
0x17c: {  	_ =	swait.ge [sflag:s21], $0x4000  }
0x17d: {  	[sflag:s21] =	ssyncset.done $0x0  }
0x17e: {  	s8 =	simm.s32 $0xE;
	[sflag:s21] =	ssyncadd.s32 $0xFFFFC000  }
0x17f: {  	_ =	swait.ge [sflag:s8], $0x4000  }
0x180: {  	[sflag:s8] =	ssyncset.done $0x0  }
0x181: {  	[sflag:s8] =	ssyncadd.s32 $0xFFFFC000  }
0x182: {  	v3 =	vld [tilespmem:$0xD0];
	_ =	sdelay $0x4  }
0x183: {  	v45 =	vshll.u32 v3, $0x3  }
0x184: {  	v3 =	vand.u32 $0x7, v3;
	v4 =	vand.u32 $0xFFFFFFC0, v45  }
0x185: {  	v3 =	vor.u32 v3, v4  }
0x186: {  	v4 =	vperm.xlane v3, v0;
	_ =	sdelay $0x1  }
0x187: {  	v4 =	vadd.s32 v1, v4;
	_ =	sdelay $0x4  }
0x188: {  	[tilespmem:s26], [sflag:$0x7] =	stream.indirect_vreg.gather [hbm4b:s2+s3], $0x80, v4, vm0, $0xb8;
	[tilespmem:$0x1C200] =	vst v63  }
0x189: {  	s14 =	simm.s32 $0x18A00;
	v3 =	vperm.xlane v3, v2  }
0x18a: {  	[tilespmem:s14], [sflag:$0x7] =	stream.indirect_vreg.gather [hbm4b:s5+s3], $0x80, v4, vm0, $0xb8;
	[tilespmem:$0x1C200] =	vst v63  }
0x18b: {  	s18 =	simm.s32 $0x19200;
	v3 =	vadd.s32 v1, v3  }
0x18c: {  	[tilespmem:s18], [sflag:$0x7] =	stream.indirect_vreg.gather [hbm4b:s6+s3], $0x80, v4, vm0, $0xb8;
	[tilespmem:$0x1C200] =	vst v63  }
0x18d: {  	s26 =	simm.s32 $0x19A00  }
0x18e: {  	[tilespmem:s26], [sflag:$0x7] =	stream.indirect_vreg.gather [hbm4b:s7+s3], $0x80, v4, vm0, $0xb8;
	[tilespmem:$0x1C200] =	vst v63  }
0x18f: {  	s14 =	simm.s32 $0x1A200  }
0x190: {  	[tilespmem:s14], [sflag:$0x7] =	stream.indirect_vreg.gather [hbm4b:s2+s3], $0x80, v3, vm0, $0xb8;
	[tilespmem:$0x1C200] =	vst v63  }
0x191: {  	s18 =	simm.s32 $0x1AA00  }
0x192: {  	[tilespmem:s18], [sflag:$0x7] =	stream.indirect_vreg.gather [hbm4b:s5+s3], $0x80, v3, vm0, $0xb8;
	[tilespmem:$0x1C200] =	vst v63  }
0x193: {  	s26 =	simm.s32 $0x1B200  }
0x194: {  	[tilespmem:s26], [sflag:$0x7] =	stream.indirect_vreg.gather [hbm4b:s6+s3], $0x80, v3, vm0, $0xb8;
	[tilespmem:$0x1C200] =	vst v63  }
0x195: {  	s26 =	simm.s32 $0x1BA00  }
0x196: {  	[tilespmem:s26], [sflag:$0x7] =	stream.indirect_vreg.gather [hbm4b:s7+s3], $0x80, v3, vm0, $0xb8;
	[tilespmem:$0x1C200] =	vst v63  }
0x197: {  	s4 =	rddreg [dreg:$0xb];
	s18 =	simm.s32 $0x200  }
0x198: {  	[hbm4b:s4+s3] =	stream.linear.scatter [tilespmem:s18], [sflag:$0x8], $0x4000, $0x38;
	[tilespmem:$0x1C200] =	vst v63  }
0x199: {  	_ =	swait.ge [sflag:s23], $0x4000  }
0x19a: {  	[sflag:s23] =	ssyncset.done $0x0  }
0x19b: {  	[sflag:s23] =	ssyncadd.s32 $0xFFFFC000  }
0x19c: {  	_ =	swait.ge [sflag:s24], $0x4000  }
0x19d: {  	[sflag:s24] =	ssyncset.done $0x0  }
0x19e: {  	[sflag:s24] =	ssyncadd.s32 $0xFFFFC000  }
0x19f: {  	v3 =	vld [tilespmem:$0xE0];
	_ =	sdelay $0x4  }
0x1a0: {  	v46 =	vshll.u32 v3, $0x3  }
0x1a1: {  	v3 =	vand.u32 $0x7, v3;
	v4 =	vand.u32 $0xFFFFFFC0, v46  }
0x1a2: {  	v3 =	vor.u32 v3, v4  }
0x1a3: {  	v4 =	vperm.xlane v3, v0;
	_ =	sdelay $0x1  }
0x1a4: {  	v4 =	vadd.s32 v1, v4;
	_ =	sdelay $0x4  }
0x1a5: {  	[tilespmem:s18], [sflag:$0x1] =	stream.indirect_vreg.gather [hbm4b:s2+s3], $0x80, v4, vm0, $0xb8;
	[tilespmem:$0x1C200] =	vst v63  }
0x1a6: {  	s14 =	simm.s32 $0xA00;
	v3 =	vperm.xlane v3, v2  }
0x1a7: {  	[tilespmem:s14], [sflag:$0x1] =	stream.indirect_vreg.gather [hbm4b:s5+s3], $0x80, v4, vm0, $0xb8;
	[tilespmem:$0x1C200] =	vst v63  }
0x1a8: {  	v3 =	vadd.s32 v1, v3;
	s14 =	simm.s32 $0x1200  }
0x1a9: {  	[tilespmem:s14], [sflag:$0x1] =	stream.indirect_vreg.gather [hbm4b:s6+s3], $0x80, v4, vm0, $0xb8;
	[tilespmem:$0x1C200] =	vst v63  }
0x1aa: {  	s14 =	simm.s32 $0x1A00  }
0x1ab: {  	[tilespmem:s14], [sflag:$0x1] =	stream.indirect_vreg.gather [hbm4b:s7+s3], $0x80, v4, vm0, $0xb8;
	[tilespmem:$0x1C200] =	vst v63  }
0x1ac: {  	s17 =	simm.s32 $0x2200  }
0x1ad: {  	[tilespmem:s17], [sflag:$0x1] =	stream.indirect_vreg.gather [hbm4b:s2+s3], $0x80, v3, vm0, $0xb8;
	[tilespmem:$0x1C200] =	vst v63  }
0x1ae: {  	s17 =	simm.s32 $0x2A00  }
0x1af: {  	[tilespmem:s17], [sflag:$0x1] =	stream.indirect_vreg.gather [hbm4b:s5+s3], $0x80, v3, vm0, $0xb8;
	[tilespmem:$0x1C200] =	vst v63  }
0x1b0: {  	s14 =	simm.s32 $0x3200  }
0x1b1: {  	[tilespmem:s14], [sflag:$0x1] =	stream.indirect_vreg.gather [hbm4b:s6+s3], $0x80, v3, vm0, $0xb8;
	[tilespmem:$0x1C200] =	vst v63  }
0x1b2: {  	s17 =	simm.s32 $0x3A00  }
0x1b3: {  	[tilespmem:s17], [sflag:$0x1] =	stream.indirect_vreg.gather [hbm4b:s7+s3], $0x80, v3, vm0, $0xb8;
	[tilespmem:$0x1C200] =	vst v63  }
0x1b4: {  	s14 =	rddreg [dreg:$0xc];
	s17 =	simm.s32 $0x4200  }
0x1b5: {  	[hbm4b:s14+s3] =	stream.linear.scatter [tilespmem:s17], [sflag:$0x9], $0x4000, $0x38;
	[tilespmem:$0x1C200] =	vst v63  }
0x1b6: {  	_ =	swait.ge [sflag:s25], $0x4000  }
0x1b7: {  	[sflag:s25] =	ssyncset.done $0x0  }
0x1b8: {  	[sflag:s25] =	ssyncadd.s32 $0xFFFFC000  }
0x1b9: {  	_ =	swait.ge [sflag:s28], $0x4000  }
0x1ba: {  	[sflag:s28] =	ssyncset.done $0x0  }
0x1bb: {  	[sflag:s28] =	ssyncadd.s32 $0xFFFFC000  }
0x1bc: {  	v3 =	vld [tilespmem:$0xF0];
	_ =	sdelay $0x4  }
0x1bd: {  	v47 =	vshll.u32 v3, $0x3  }
0x1be: {  	v3 =	vand.u32 $0x7, v3;
	v4 =	vand.u32 $0xFFFFFFC0, v47  }
0x1bf: {  	v3 =	vor.u32 v3, v4  }
0x1c0: {  	v4 =	vperm.xlane v3, v0;
	_ =	sdelay $0x1  }
0x1c1: {  	v4 =	vadd.s32 v1, v4;
	_ =	sdelay $0x4  }
0x1c2: {  	[tilespmem:s17], [sflag:$0x2] =	stream.indirect_vreg.gather [hbm4b:s2+s3], $0x80, v4, vm0, $0xb8;
	[tilespmem:$0x1C200] =	vst v63  }
0x1c3: {  	s4 =	simm.s32 $0x4A00;
	v3 =	vperm.xlane v3, v2  }
0x1c4: {  	[tilespmem:s4], [sflag:$0x2] =	stream.indirect_vreg.gather [hbm4b:s5+s3], $0x80, v4, vm0, $0xb8;
	[tilespmem:$0x1C200] =	vst v63  }
0x1c5: {  	v3 =	vadd.s32 v1, v3;
	s4 =	simm.s32 $0x5200  }
0x1c6: {  	[tilespmem:s4], [sflag:$0x2] =	stream.indirect_vreg.gather [hbm4b:s6+s3], $0x80, v4, vm0, $0xb8;
	[tilespmem:$0x1C200] =	vst v63  }
0x1c7: {  	s4 =	simm.s32 $0x5A00  }
0x1c8: {  	[tilespmem:s4], [sflag:$0x2] =	stream.indirect_vreg.gather [hbm4b:s7+s3], $0x80, v4, vm0, $0xb8;
	[tilespmem:$0x1C200] =	vst v63  }
0x1c9: {  	s4 =	simm.s32 $0x6200  }
0x1ca: {  	[tilespmem:s4], [sflag:$0x2] =	stream.indirect_vreg.gather [hbm4b:s2+s3], $0x80, v3, vm0, $0xb8;
	[tilespmem:$0x1C200] =	vst v63  }
0x1cb: {  	_ = 	snop  }
0x1cc: {  	[tilespmem:s10], [sflag:$0x2] =	stream.indirect_vreg.gather [hbm4b:s5+s3], $0x80, v3, vm0, $0xb8;
	[tilespmem:$0x1C200] =	vst v63  }
0x1cd: {  	s14 =	simm.s32 $0x7200  }
0x1ce: {  	[tilespmem:s14], [sflag:$0x2] =	stream.indirect_vreg.gather [hbm4b:s6+s3], $0x80, v3, vm0, $0xb8;
	[tilespmem:$0x1C200] =	vst v63  }
0x1cf: {  	s10 =	simm.s32 $0x7A00  }
0x1d0: {  	[tilespmem:s10], [sflag:$0x2] =	stream.indirect_vreg.gather [hbm4b:s7+s3], $0x80, v3, vm0, $0xb8;
	[tilespmem:$0x1C200] =	vst v63  }
0x1d1: {  	s14 =	rddreg [dreg:$0xd];
	s10 =	simm.s32 $0x8200  }
0x1d2: {  	[hbm4b:s14+s3] =	stream.linear.scatter [tilespmem:s10], [sflag:$0xA], $0x4000, $0x38;
	[tilespmem:$0x1C200] =	vst v63  }
0x1d3: {  	_ =	swait.ge [sflag:s29], $0x4000  }
0x1d4: {  	[sflag:s29] =	ssyncset.done $0x0  }
0x1d5: {  	[sflag:s29] =	ssyncadd.s32 $0xFFFFC000  }
0x1d6: {  	_ =	swait.ge [sflag:s30], $0x4000  }
0x1d7: {  	[sflag:s30] =	ssyncset.done $0x0  }
0x1d8: {  	[sflag:s30] =	ssyncadd.s32 $0xFFFFC000  }
0x1d9: {  	v3 =	vld [tilespmem:$0x100];
	_ =	sdelay $0x4  }
0x1da: {  	v48 =	vshll.u32 v3, $0x3  }
0x1db: {  	v3 =	vand.u32 $0x7, v3;
	v4 =	vand.u32 $0xFFFFFFC0, v48  }
0x1dc: {  	v3 =	vor.u32 v3, v4  }
0x1dd: {  	v4 =	vperm.xlane v3, v0;
	_ =	sdelay $0x1  }
0x1de: {  	v4 =	vadd.s32 v1, v4;
	_ =	sdelay $0x4  }
0x1df: {  	[tilespmem:s10], [sflag:$0x3] =	stream.indirect_vreg.gather [hbm4b:s2+s3], $0x80, v4, vm0, $0xb8;
	[tilespmem:$0x1C200] =	vst v63  }
0x1e0: {  	v3 =	vperm.xlane v3, v2;
	s10 =	simm.s32 $0x8A00  }
0x1e1: {  	[tilespmem:s10], [sflag:$0x3] =	stream.indirect_vreg.gather [hbm4b:s5+s3], $0x80, v4, vm0, $0xb8;
	[tilespmem:$0x1C200] =	vst v63  }
0x1e2: {  	s14 =	simm.s32 $0x9200;
	v3 =	vadd.s32 v1, v3  }
0x1e3: {  	[tilespmem:s14], [sflag:$0x3] =	stream.indirect_vreg.gather [hbm4b:s6+s3], $0x80, v4, vm0, $0xb8;
	[tilespmem:$0x1C200] =	vst v63  }
0x1e4: {  	s14 =	simm.s32 $0x9A00  }
0x1e5: {  	[tilespmem:s14], [sflag:$0x3] =	stream.indirect_vreg.gather [hbm4b:s7+s3], $0x80, v4, vm0, $0xb8;
	[tilespmem:$0x1C200] =	vst v63  }
0x1e6: {  	_ = 	snop  }
0x1e7: {  	[tilespmem:s16], [sflag:$0x3] =	stream.indirect_vreg.gather [hbm4b:s2+s3], $0x80, v3, vm0, $0xb8;
	[tilespmem:$0x1C200] =	vst v63  }
0x1e8: {  	_ = 	snop  }
0x1e9: {  	[tilespmem:s31], [sflag:$0x3] =	stream.indirect_vreg.gather [hbm4b:s5+s3], $0x80, v3, vm0, $0xb8;
	[tilespmem:$0x1C200] =	vst v63  }
0x1ea: {  	s16 =	simm.s32 $0xB200  }
0x1eb: {  	[tilespmem:s16], [sflag:$0x3] =	stream.indirect_vreg.gather [hbm4b:s6+s3], $0x80, v3, vm0, $0xb8;
	[tilespmem:$0x1C200] =	vst v63  }
0x1ec: {  	s31 =	simm.s32 $0xBA00  }
0x1ed: {  	[tilespmem:s31], [sflag:$0x3] =	stream.indirect_vreg.gather [hbm4b:s7+s3], $0x80, v3, vm0, $0xb8;
	[tilespmem:$0x1C200] =	vst v63  }
0x1ee: {  	s14 =	rddreg [dreg:$0xe];
	s16 =	simm.s32 $0xC200  }
0x1ef: {  	[hbm4b:s14+s3] =	stream.linear.scatter [tilespmem:s16], [sflag:$0xB], $0x4000, $0x38;
	[tilespmem:$0x1C200] =	vst v63  }
0x1f0: {  	_ =	swait.ge [sflag:s0], $0x4000  }
0x1f1: {  	[sflag:s0] =	ssyncset.done $0x0  }
0x1f2: {  	[sflag:s0] =	ssyncadd.s32 $0xFFFFC000  }
0x1f3: {  	_ =	swait.ge [sflag:s1], $0x4000  }
0x1f4: {  	[sflag:s1] =	ssyncset.done $0x0  }
0x1f5: {  	[sflag:s1] =	ssyncadd.s32 $0xFFFFC000  }
0x1f6: {  	v3 =	vld [tilespmem:$0x110];
	_ =	sdelay $0x4  }
0x1f7: {  	v49 =	vshll.u32 v3, $0x3  }
0x1f8: {  	v3 =	vand.u32 $0x7, v3;
	v4 =	vand.u32 $0xFFFFFFC0, v49  }
0x1f9: {  	v3 =	vor.u32 v3, v4  }
0x1fa: {  	v4 =	vperm.xlane v3, v0;
	_ =	sdelay $0x1  }
0x1fb: {  	v4 =	vadd.s32 v1, v4;
	_ =	sdelay $0x4  }
0x1fc: {  	[tilespmem:s16], [sflag:$0x4] =	stream.indirect_vreg.gather [hbm4b:s2+s3], $0x80, v4, vm0, $0xb8;
	[tilespmem:$0x1C200] =	vst v63  }
0x1fd: {  	s31 =	simm.s32 $0xCA00;
	v3 =	vperm.xlane v3, v2  }
0x1fe: {  	[tilespmem:s31], [sflag:$0x4] =	stream.indirect_vreg.gather [hbm4b:s5+s3], $0x80, v4, vm0, $0xb8;
	[tilespmem:$0x1C200] =	vst v63  }
0x1ff: {  	s14 =	simm.s32 $0xD200;
	v3 =	vadd.s32 v1, v3  }
0x200: {  	[tilespmem:s14], [sflag:$0x4] =	stream.indirect_vreg.gather [hbm4b:s6+s3], $0x80, v4, vm0, $0xb8;
	[tilespmem:$0x1C200] =	vst v63  }
0x201: {  	s31 =	simm.s32 $0xDA00  }
0x202: {  	[tilespmem:s31], [sflag:$0x4] =	stream.indirect_vreg.gather [hbm4b:s7+s3], $0x80, v4, vm0, $0xb8;
	[tilespmem:$0x1C200] =	vst v63  }
0x203: {  	s14 =	simm.s32 $0xE200  }
0x204: {  	[tilespmem:s14], [sflag:$0x4] =	stream.indirect_vreg.gather [hbm4b:s2+s3], $0x80, v3, vm0, $0xb8;
	[tilespmem:$0x1C200] =	vst v63  }
0x205: {  	s10 =	simm.s32 $0xEA00  }
0x206: {  	[tilespmem:s10], [sflag:$0x4] =	stream.indirect_vreg.gather [hbm4b:s5+s3], $0x80, v3, vm0, $0xb8;
	[tilespmem:$0x1C200] =	vst v63  }
0x207: {  	s31 =	simm.s32 $0xF200  }
0x208: {  	[tilespmem:s31], [sflag:$0x4] =	stream.indirect_vreg.gather [hbm4b:s6+s3], $0x80, v3, vm0, $0xb8;
	[tilespmem:$0x1C200] =	vst v63  }
0x209: {  	s31 =	simm.s32 $0xFA00  }
0x20a: {  	[tilespmem:s31], [sflag:$0x4] =	stream.indirect_vreg.gather [hbm4b:s7+s3], $0x80, v3, vm0, $0xb8;
	[tilespmem:$0x1C200] =	vst v63  }
0x20b: {  	s19 =	simm.s32 $0x10200;
	s14 =	rddreg [dreg:$0xf]  }
0x20c: {  	[hbm4b:s14+s3] =	stream.linear.scatter [tilespmem:s19], [sflag:$0xC], $0x4000, $0x38;
	[tilespmem:$0x1C200] =	vst v63  }
0x20d: {  	_ =	swait.ge [sflag:s9], $0x4000  }
0x20e: {  	[sflag:s9] =	ssyncset.done $0x0  }
0x20f: {  	[sflag:s9] =	ssyncadd.s32 $0xFFFFC000  }
0x210: {  	_ =	swait.ge [sflag:s11], $0x4000  }
0x211: {  	[sflag:s11] =	ssyncset.done $0x0  }
0x212: {  	[sflag:s11] =	ssyncadd.s32 $0xFFFFC000  }
0x213: {  	v3 =	vld [tilespmem:$0x120];
	_ =	sdelay $0x4  }
0x214: {  	v50 =	vshll.u32 v3, $0x3  }
0x215: {  	v3 =	vand.u32 $0x7, v3;
	v4 =	vand.u32 $0xFFFFFFC0, v50  }
0x216: {  	v3 =	vor.u32 v3, v4  }
0x217: {  	v4 =	vperm.xlane v3, v0;
	_ =	sdelay $0x1  }
0x218: {  	v4 =	vadd.s32 v1, v4;
	_ =	sdelay $0x4  }
0x219: {  	[tilespmem:s19], [sflag:$0x5] =	stream.indirect_vreg.gather [hbm4b:s2+s3], $0x80, v4, vm0, $0xb8;
	[tilespmem:$0x1C200] =	vst v63  }
0x21a: {  	v3 =	vperm.xlane v3, v2;
	s19 =	simm.s32 $0x10A00  }
0x21b: {  	[tilespmem:s19], [sflag:$0x5] =	stream.indirect_vreg.gather [hbm4b:s5+s3], $0x80, v4, vm0, $0xb8;
	[tilespmem:$0x1C200] =	vst v63  }
0x21c: {  	v3 =	vadd.s32 v1, v3;
	s19 =	simm.s32 $0x11200  }
0x21d: {  	[tilespmem:s19], [sflag:$0x5] =	stream.indirect_vreg.gather [hbm4b:s6+s3], $0x80, v4, vm0, $0xb8;
	[tilespmem:$0x1C200] =	vst v63  }
0x21e: {  	s19 =	simm.s32 $0x11A00  }
0x21f: {  	[tilespmem:s19], [sflag:$0x5] =	stream.indirect_vreg.gather [hbm4b:s7+s3], $0x80, v4, vm0, $0xb8;
	[tilespmem:$0x1C200] =	vst v63  }
0x220: {  	s19 =	simm.s32 $0x12200  }
0x221: {  	[tilespmem:s19], [sflag:$0x5] =	stream.indirect_vreg.gather [hbm4b:s2+s3], $0x80, v3, vm0, $0xb8;
	[tilespmem:$0x1C200] =	vst v63  }
0x222: {  	s19 =	simm.s32 $0x12A00  }
0x223: {  	[tilespmem:s19], [sflag:$0x5] =	stream.indirect_vreg.gather [hbm4b:s5+s3], $0x80, v3, vm0, $0xb8;
	[tilespmem:$0x1C200] =	vst v63  }
0x224: {  	s19 =	simm.s32 $0x13200  }
0x225: {  	[tilespmem:s19], [sflag:$0x5] =	stream.indirect_vreg.gather [hbm4b:s6+s3], $0x80, v3, vm0, $0xb8;
	[tilespmem:$0x1C200] =	vst v63  }
0x226: {  	s19 =	simm.s32 $0x13A00  }
0x227: {  	[tilespmem:s19], [sflag:$0x5] =	stream.indirect_vreg.gather [hbm4b:s7+s3], $0x80, v3, vm0, $0xb8;
	[tilespmem:$0x1C200] =	vst v63  }
0x228: {  	s22 =	simm.s32 $0x14200;
	s14 =	rddreg [dreg:$0x10]  }
0x229: {  	[hbm4b:s14+s3] =	stream.linear.scatter [tilespmem:s22], [sflag:$0xD], $0x4000, $0x38;
	[tilespmem:$0x1C200] =	vst v63  }
0x22a: {  	_ =	swait.ge [sflag:s12], $0x4000  }
0x22b: {  	[sflag:s12] =	ssyncset.done $0x0  }
0x22c: {  	[sflag:s12] =	ssyncadd.s32 $0xFFFFC000  }
0x22d: {  	_ =	swait.ge [sflag:s13], $0x4000  }
0x22e: {  	[sflag:s13] =	ssyncset.done $0x0  }
0x22f: {  	[sflag:s13] =	ssyncadd.s32 $0xFFFFC000  }
0x230: {  	v3 =	vld [tilespmem:$0x130];
	_ =	sdelay $0x4  }
0x231: {  	v51 =	vshll.u32 v3, $0x3  }
0x232: {  	v3 =	vand.u32 $0x7, v3;
	v4 =	vand.u32 $0xFFFFFFC0, v51  }
0x233: {  	v3 =	vor.u32 v3, v4  }
0x234: {  	v4 =	vperm.xlane v3, v0;
	_ =	sdelay $0x1  }
0x235: {  	v4 =	vadd.s32 v1, v4;
	_ =	sdelay $0x4  }
0x236: {  	[tilespmem:s22], [sflag:$0x6] =	stream.indirect_vreg.gather [hbm4b:s2+s3], $0x80, v4, vm0, $0xb8;
	[tilespmem:$0x1C200] =	vst v63  }
0x237: {  	v3 =	vperm.xlane v3, v2;
	s22 =	simm.s32 $0x14A00  }
0x238: {  	[tilespmem:s22], [sflag:$0x6] =	stream.indirect_vreg.gather [hbm4b:s5+s3], $0x80, v4, vm0, $0xb8;
	[tilespmem:$0x1C200] =	vst v63  }
0x239: {  	s19 =	simm.s32 $0x15200;
	v3 =	vadd.s32 v1, v3  }
0x23a: {  	[tilespmem:s19], [sflag:$0x6] =	stream.indirect_vreg.gather [hbm4b:s6+s3], $0x80, v4, vm0, $0xb8;
	[tilespmem:$0x1C200] =	vst v63  }
0x23b: {  	s22 =	simm.s32 $0x15A00  }
0x23c: {  	[tilespmem:s22], [sflag:$0x6] =	stream.indirect_vreg.gather [hbm4b:s7+s3], $0x80, v4, vm0, $0xb8;
	[tilespmem:$0x1C200] =	vst v63  }
0x23d: {  	s19 =	simm.s32 $0x16200  }
0x23e: {  	[tilespmem:s19], [sflag:$0x6] =	stream.indirect_vreg.gather [hbm4b:s2+s3], $0x80, v3, vm0, $0xb8;
	[tilespmem:$0x1C200] =	vst v63  }
0x23f: {  	s22 =	simm.s32 $0x16A00  }
0x240: {  	[tilespmem:s22], [sflag:$0x6] =	stream.indirect_vreg.gather [hbm4b:s5+s3], $0x80, v3, vm0, $0xb8;
	[tilespmem:$0x1C200] =	vst v63  }
0x241: {  	s19 =	simm.s32 $0x17200  }
0x242: {  	[tilespmem:s19], [sflag:$0x6] =	stream.indirect_vreg.gather [hbm4b:s6+s3], $0x80, v3, vm0, $0xb8;
	[tilespmem:$0x1C200] =	vst v63  }
0x243: {  	s22 =	simm.s32 $0x17A00  }
0x244: {  	[tilespmem:s22], [sflag:$0x6] =	stream.indirect_vreg.gather [hbm4b:s7+s3], $0x80, v3, vm0, $0xb8;
	[tilespmem:$0x1C200] =	vst v63  }
0x245: {  	s20 =	simm.s32 $0x18200;
	s14 =	rddreg [dreg:$0x11]  }
0x246: {  	[hbm4b:s14+s3] =	stream.linear.scatter [tilespmem:s20], [sflag:$0xE], $0x4000, $0x38;
	[tilespmem:$0x1C200] =	vst v63  }
0x247: {  	_ =	swait.ge [sflag:s21], $0x4000  }
0x248: {  	[sflag:s21] =	ssyncset.done $0x0  }
0x249: {  	[sflag:s21] =	ssyncadd.s32 $0xFFFFC000  }
0x24a: {  	_ =	swait.ge [sflag:s8], $0x4000  }
0x24b: {  	[sflag:s8] =	ssyncset.done $0x0  }
0x24c: {  	[sflag:s8] =	ssyncadd.s32 $0xFFFFC000  }
0x24d: {  	v3 =	vld [tilespmem:$0x140];
	_ =	sdelay $0x4  }
0x24e: {  	v52 =	vshll.u32 v3, $0x3  }
0x24f: {  	v3 =	vand.u32 $0x7, v3;
	v4 =	vand.u32 $0xFFFFFFC0, v52  }
0x250: {  	v3 =	vor.u32 v3, v4  }
0x251: {  	v4 =	vperm.xlane v3, v0;
	_ =	sdelay $0x1  }
0x252: {  	v4 =	vadd.s32 v1, v4;
	_ =	sdelay $0x4  }
0x253: {  	[tilespmem:s20], [sflag:$0x7] =	stream.indirect_vreg.gather [hbm4b:s2+s3], $0x80, v4, vm0, $0xb8;
	[tilespmem:$0x1C200] =	vst v63  }
0x254: {  	s22 =	simm.s32 $0x18A00;
	v3 =	vperm.xlane v3, v2  }
0x255: {  	[tilespmem:s22], [sflag:$0x7] =	stream.indirect_vreg.gather [hbm4b:s5+s3], $0x80, v4, vm0, $0xb8;
	[tilespmem:$0x1C200] =	vst v63  }
0x256: {  	s19 =	simm.s32 $0x19200;
	v3 =	vadd.s32 v1, v3  }
0x257: {  	[tilespmem:s19], [sflag:$0x7] =	stream.indirect_vreg.gather [hbm4b:s6+s3], $0x80, v4, vm0, $0xb8;
	[tilespmem:$0x1C200] =	vst v63  }
0x258: {  	s20 =	simm.s32 $0x19A00  }
0x259: {  	[tilespmem:s20], [sflag:$0x7] =	stream.indirect_vreg.gather [hbm4b:s7+s3], $0x80, v4, vm0, $0xb8;
	[tilespmem:$0x1C200] =	vst v63  }
0x25a: {  	s22 =	simm.s32 $0x1A200  }
0x25b: {  	[tilespmem:s22], [sflag:$0x7] =	stream.indirect_vreg.gather [hbm4b:s2+s3], $0x80, v3, vm0, $0xb8;
	[tilespmem:$0x1C200] =	vst v63  }
0x25c: {  	s19 =	simm.s32 $0x1AA00  }
0x25d: {  	[tilespmem:s19], [sflag:$0x7] =	stream.indirect_vreg.gather [hbm4b:s5+s3], $0x80, v3, vm0, $0xb8;
	[tilespmem:$0x1C200] =	vst v63  }
0x25e: {  	s20 =	simm.s32 $0x1B200  }
0x25f: {  	[tilespmem:s20], [sflag:$0x7] =	stream.indirect_vreg.gather [hbm4b:s6+s3], $0x80, v3, vm0, $0xb8;
	[tilespmem:$0x1C200] =	vst v63  }
0x260: {  	_ = 	snop  }
0x261: {  	[tilespmem:s26], [sflag:$0x7] =	stream.indirect_vreg.gather [hbm4b:s7+s3], $0x80, v3, vm0, $0xb8;
	[tilespmem:$0x1C200] =	vst v63  }
0x262: {  	s18 =	simm.s32 $0x200;
	s22 =	rddreg [dreg:$0x12]  }
0x263: {  	[hbm4b:s22+s3] =	stream.linear.scatter [tilespmem:s18], [sflag:$0x8], $0x4000, $0x38;
	[tilespmem:$0x1C200] =	vst v63  }
0x264: {  	_ =	swait.ge [sflag:s23], $0x4000  }
0x265: {  	[sflag:s23] =	ssyncset.done $0x0  }
0x266: {  	[sflag:s23] =	ssyncadd.s32 $0xFFFFC000  }
0x267: {  	_ =	swait.ge [sflag:s24], $0x4000  }
0x268: {  	[sflag:s24] =	ssyncset.done $0x0  }
0x269: {  	[sflag:s24] =	ssyncadd.s32 $0xFFFFC000  }
0x26a: {  	v3 =	vld [tilespmem:$0x150];
	_ =	sdelay $0x4  }
0x26b: {  	v53 =	vshll.u32 v3, $0x3  }
0x26c: {  	v3 =	vand.u32 $0x7, v3;
	v4 =	vand.u32 $0xFFFFFFC0, v53  }
0x26d: {  	v3 =	vor.u32 v3, v4  }
0x26e: {  	v4 =	vperm.xlane v3, v0;
	_ =	sdelay $0x1  }
0x26f: {  	v4 =	vadd.s32 v1, v4;
	_ =	sdelay $0x4  }
0x270: {  	[tilespmem:s18], [sflag:$0x1] =	stream.indirect_vreg.gather [hbm4b:s2+s3], $0x80, v4, vm0, $0xb8;
	[tilespmem:$0x1C200] =	vst v63  }
0x271: {  	s19 =	simm.s32 $0xA00;
	v3 =	vperm.xlane v3, v2  }
0x272: {  	[tilespmem:s19], [sflag:$0x1] =	stream.indirect_vreg.gather [hbm4b:s5+s3], $0x80, v4, vm0, $0xb8;
	[tilespmem:$0x1C200] =	vst v63  }
0x273: {  	s22 =	simm.s32 $0x1200;
	v3 =	vadd.s32 v1, v3  }
0x274: {  	[tilespmem:s22], [sflag:$0x1] =	stream.indirect_vreg.gather [hbm4b:s6+s3], $0x80, v4, vm0, $0xb8;
	[tilespmem:$0x1C200] =	vst v63  }
0x275: {  	s26 =	simm.s32 $0x1A00  }
0x276: {  	[tilespmem:s26], [sflag:$0x1] =	stream.indirect_vreg.gather [hbm4b:s7+s3], $0x80, v4, vm0, $0xb8;
	[tilespmem:$0x1C200] =	vst v63  }
0x277: {  	s18 =	simm.s32 $0x2200  }
0x278: {  	[tilespmem:s18], [sflag:$0x1] =	stream.indirect_vreg.gather [hbm4b:s2+s3], $0x80, v3, vm0, $0xb8;
	[tilespmem:$0x1C200] =	vst v63  }
0x279: {  	s19 =	simm.s32 $0x2A00  }
0x27a: {  	[tilespmem:s19], [sflag:$0x1] =	stream.indirect_vreg.gather [hbm4b:s5+s3], $0x80, v3, vm0, $0xb8;
	[tilespmem:$0x1C200] =	vst v63  }
0x27b: {  	s22 =	simm.s32 $0x3200  }
0x27c: {  	[tilespmem:s22], [sflag:$0x1] =	stream.indirect_vreg.gather [hbm4b:s6+s3], $0x80, v3, vm0, $0xb8;
	[tilespmem:$0x1C200] =	vst v63  }
0x27d: {  	s22 =	simm.s32 $0x3A00  }
0x27e: {  	[tilespmem:s22], [sflag:$0x1] =	stream.indirect_vreg.gather [hbm4b:s7+s3], $0x80, v3, vm0, $0xb8;
	[tilespmem:$0x1C200] =	vst v63  }
0x27f: {  	s17 =	simm.s32 $0x4200;
	s26 =	rddreg [dreg:$0x13]  }
0x280: {  	[hbm4b:s26+s3] =	stream.linear.scatter [tilespmem:s17], [sflag:$0x9], $0x4000, $0x38;
	[tilespmem:$0x1C200] =	vst v63  }
0x281: {  	_ =	swait.ge [sflag:s25], $0x4000  }
0x282: {  	[sflag:s25] =	ssyncset.done $0x0  }
0x283: {  	[sflag:s25] =	ssyncadd.s32 $0xFFFFC000  }
0x284: {  	_ =	swait.ge [sflag:s28], $0x4000  }
0x285: {  	[sflag:s28] =	ssyncset.done $0x0  }
0x286: {  	[sflag:s28] =	ssyncadd.s32 $0xFFFFC000  }
0x287: {  	v3 =	vld [tilespmem:$0x160];
	_ =	sdelay $0x4  }
0x288: {  	v54 =	vshll.u32 v3, $0x3  }
0x289: {  	v3 =	vand.u32 $0x7, v3;
	v4 =	vand.u32 $0xFFFFFFC0, v54  }
0x28a: {  	v3 =	vor.u32 v3, v4  }
0x28b: {  	v4 =	vperm.xlane v3, v0;
	_ =	sdelay $0x1  }
0x28c: {  	v4 =	vadd.s32 v1, v4;
	_ =	sdelay $0x4  }
0x28d: {  	[tilespmem:s17], [sflag:$0x2] =	stream.indirect_vreg.gather [hbm4b:s2+s3], $0x80, v4, vm0, $0xb8;
	[tilespmem:$0x1C200] =	vst v63  }
0x28e: {  	s26 =	simm.s32 $0x4A00;
	v3 =	vperm.xlane v3, v2  }
0x28f: {  	[tilespmem:s26], [sflag:$0x2] =	stream.indirect_vreg.gather [hbm4b:s5+s3], $0x80, v4, vm0, $0xb8;
	[tilespmem:$0x1C200] =	vst v63  }
0x290: {  	v3 =	vadd.s32 v1, v3;
	s17 =	simm.s32 $0x5200  }
0x291: {  	[tilespmem:s17], [sflag:$0x2] =	stream.indirect_vreg.gather [hbm4b:s6+s3], $0x80, v4, vm0, $0xb8;
	[tilespmem:$0x1C200] =	vst v63  }
0x292: {  	s19 =	simm.s32 $0x5A00  }
0x293: {  	[tilespmem:s19], [sflag:$0x2] =	stream.indirect_vreg.gather [hbm4b:s7+s3], $0x80, v4, vm0, $0xb8;
	[tilespmem:$0x1C200] =	vst v63  }
0x294: {  	s22 =	simm.s32 $0x6200  }
0x295: {  	[tilespmem:s22], [sflag:$0x2] =	stream.indirect_vreg.gather [hbm4b:s2+s3], $0x80, v3, vm0, $0xb8;
	[tilespmem:$0x1C200] =	vst v63  }
0x296: {  	s26 =	simm.s32 $0x6A00  }
0x297: {  	[tilespmem:s26], [sflag:$0x2] =	stream.indirect_vreg.gather [hbm4b:s5+s3], $0x80, v3, vm0, $0xb8;
	[tilespmem:$0x1C200] =	vst v63  }
0x298: {  	s17 =	simm.s32 $0x7200  }
0x299: {  	[tilespmem:s17], [sflag:$0x2] =	stream.indirect_vreg.gather [hbm4b:s6+s3], $0x80, v3, vm0, $0xb8;
	[tilespmem:$0x1C200] =	vst v63  }
0x29a: {  	s22 =	simm.s32 $0x7A00  }
0x29b: {  	[tilespmem:s22], [sflag:$0x2] =	stream.indirect_vreg.gather [hbm4b:s7+s3], $0x80, v3, vm0, $0xb8;
	[tilespmem:$0x1C200] =	vst v63  }
0x29c: {  	s4 =	simm.s32 $0x8200;
	s19 =	rddreg [dreg:$0x14]  }
0x29d: {  	[hbm4b:s19+s3] =	stream.linear.scatter [tilespmem:s4], [sflag:$0xA], $0x4000, $0x38;
	[tilespmem:$0x1C200] =	vst v63  }
0x29e: {  	_ =	swait.ge [sflag:s29], $0x4000  }
0x29f: {  	[sflag:s29] =	ssyncset.done $0x0  }
0x2a0: {  	[sflag:s29] =	ssyncadd.s32 $0xFFFFC000  }
0x2a1: {  	_ =	swait.ge [sflag:s30], $0x4000  }
0x2a2: {  	[sflag:s30] =	ssyncset.done $0x0  }
0x2a3: {  	[sflag:s30] =	ssyncadd.s32 $0xFFFFC000  }
0x2a4: {  	v3 =	vld [tilespmem:$0x170];
	_ =	sdelay $0x4  }
0x2a5: {  	v55 =	vshll.u32 v3, $0x3  }
0x2a6: {  	v3 =	vand.u32 $0x7, v3;
	v4 =	vand.u32 $0xFFFFFFC0, v55  }
0x2a7: {  	v3 =	vor.u32 v3, v4  }
0x2a8: {  	v4 =	vperm.xlane v3, v0;
	_ =	sdelay $0x1  }
0x2a9: {  	v4 =	vadd.s32 v1, v4;
	_ =	sdelay $0x4  }
0x2aa: {  	[tilespmem:s4], [sflag:$0x3] =	stream.indirect_vreg.gather [hbm4b:s2+s3], $0x80, v4, vm0, $0xb8;
	[tilespmem:$0x1C200] =	vst v63  }
0x2ab: {  	s26 =	simm.s32 $0x8A00;
	v3 =	vperm.xlane v3, v2  }
0x2ac: {  	[tilespmem:s26], [sflag:$0x3] =	stream.indirect_vreg.gather [hbm4b:s5+s3], $0x80, v4, vm0, $0xb8;
	[tilespmem:$0x1C200] =	vst v63  }
0x2ad: {  	s19 =	simm.s32 $0x9200;
	v3 =	vadd.s32 v1, v3  }
0x2ae: {  	[tilespmem:s19], [sflag:$0x3] =	stream.indirect_vreg.gather [hbm4b:s6+s3], $0x80, v4, vm0, $0xb8;
	[tilespmem:$0x1C200] =	vst v63  }
0x2af: {  	s4 =	simm.s32 $0x9A00  }
0x2b0: {  	[tilespmem:s4], [sflag:$0x3] =	stream.indirect_vreg.gather [hbm4b:s7+s3], $0x80, v4, vm0, $0xb8;
	[tilespmem:$0x1C200] =	vst v63  }
0x2b1: {  	s17 =	simm.s32 $0xA200  }
0x2b2: {  	[tilespmem:s17], [sflag:$0x3] =	stream.indirect_vreg.gather [hbm4b:s2+s3], $0x80, v3, vm0, $0xb8;
	[tilespmem:$0x1C200] =	vst v63  }
0x2b3: {  	s26 =	simm.s32 $0xAA00  }
0x2b4: {  	[tilespmem:s26], [sflag:$0x3] =	stream.indirect_vreg.gather [hbm4b:s5+s3], $0x80, v3, vm0, $0xb8;
	[tilespmem:$0x1C200] =	vst v63  }
0x2b5: {  	s4 =	simm.s32 $0xB200  }
0x2b6: {  	[tilespmem:s4], [sflag:$0x3] =	stream.indirect_vreg.gather [hbm4b:s6+s3], $0x80, v3, vm0, $0xb8;
	[tilespmem:$0x1C200] =	vst v63  }
0x2b7: {  	s26 =	simm.s32 $0xBA00  }
0x2b8: {  	[tilespmem:s26], [sflag:$0x3] =	stream.indirect_vreg.gather [hbm4b:s7+s3], $0x80, v3, vm0, $0xb8;
	[tilespmem:$0x1C200] =	vst v63  }
0x2b9: {  	s16 =	simm.s32 $0xC200;
	s17 =	rddreg [dreg:$0x15]  }
0x2ba: {  	[hbm4b:s17+s3] =	stream.linear.scatter [tilespmem:s16], [sflag:$0xB], $0x4000, $0x38;
	[tilespmem:$0x1C200] =	vst v63  }
0x2bb: {  	_ =	swait.ge [sflag:s0], $0x4000  }
0x2bc: {  	[sflag:s0] =	ssyncset.done $0x0  }
0x2bd: {  	[sflag:s0] =	ssyncadd.s32 $0xFFFFC000  }
0x2be: {  	_ =	swait.ge [sflag:s1], $0x4000  }
0x2bf: {  	[sflag:s1] =	ssyncset.done $0x0  }
0x2c0: {  	[sflag:s1] =	ssyncadd.s32 $0xFFFFC000  }
0x2c1: {  	v3 =	vld [tilespmem:$0x180];
	_ =	sdelay $0x4  }
0x2c2: {  	v56 =	vshll.u32 v3, $0x3  }
0x2c3: {  	v3 =	vand.u32 $0x7, v3;
	v4 =	vand.u32 $0xFFFFFFC0, v56  }
0x2c4: {  	v3 =	vor.u32 v3, v4  }
0x2c5: {  	v4 =	vperm.xlane v3, v0;
	_ =	sdelay $0x1  }
0x2c6: {  	v4 =	vadd.s32 v1, v4;
	_ =	sdelay $0x4  }
0x2c7: {  	[tilespmem:s16], [sflag:$0x4] =	stream.indirect_vreg.gather [hbm4b:s2+s3], $0x80, v4, vm0, $0xb8;
	[tilespmem:$0x1C200] =	vst v63  }
0x2c8: {  	s14 =	simm.s32 $0xCA00;
	v3 =	vperm.xlane v3, v2  }
0x2c9: {  	[tilespmem:s14], [sflag:$0x4] =	stream.indirect_vreg.gather [hbm4b:s5+s3], $0x80, v4, vm0, $0xb8;
	[tilespmem:$0x1C200] =	vst v63  }
0x2ca: {  	v3 =	vadd.s32 v1, v3;
	s16 =	simm.s32 $0xD200  }
0x2cb: {  	[tilespmem:s16], [sflag:$0x4] =	stream.indirect_vreg.gather [hbm4b:s6+s3], $0x80, v4, vm0, $0xb8;
	[tilespmem:$0x1C200] =	vst v63  }
0x2cc: {  	s17 =	simm.s32 $0xDA00  }
0x2cd: {  	[tilespmem:s17], [sflag:$0x4] =	stream.indirect_vreg.gather [hbm4b:s7+s3], $0x80, v4, vm0, $0xb8;
	[tilespmem:$0x1C200] =	vst v63  }
0x2ce: {  	s26 =	simm.s32 $0xE200  }
0x2cf: {  	[tilespmem:s26], [sflag:$0x4] =	stream.indirect_vreg.gather [hbm4b:s2+s3], $0x80, v3, vm0, $0xb8;
	[tilespmem:$0x1C200] =	vst v63  }
0x2d0: {  	_ = 	snop  }
0x2d1: {  	[tilespmem:s10], [sflag:$0x4] =	stream.indirect_vreg.gather [hbm4b:s5+s3], $0x80, v3, vm0, $0xb8;
	[tilespmem:$0x1C200] =	vst v63  }
0x2d2: {  	s14 =	simm.s32 $0xF200  }
0x2d3: {  	[tilespmem:s14], [sflag:$0x4] =	stream.indirect_vreg.gather [hbm4b:s6+s3], $0x80, v3, vm0, $0xb8;
	[tilespmem:$0x1C200] =	vst v63  }
0x2d4: {  	_ = 	snop  }
0x2d5: {  	[tilespmem:s31], [sflag:$0x4] =	stream.indirect_vreg.gather [hbm4b:s7+s3], $0x80, v3, vm0, $0xb8;
	[tilespmem:$0x1C200] =	vst v63  }
0x2d6: {  	s4 =	simm.s32 $0x10200;
	s16 =	rddreg [dreg:$0x16]  }
0x2d7: {  	[hbm4b:s16+s3] =	stream.linear.scatter [tilespmem:s4], [sflag:$0xC], $0x4000, $0x38;
	[tilespmem:$0x1C200] =	vst v63  }
0x2d8: {  	_ =	swait.ge [sflag:s9], $0x4000  }
0x2d9: {  	[sflag:s9] =	ssyncset.done $0x0  }
0x2da: {  	[sflag:s9] =	ssyncadd.s32 $0xFFFFC000  }
0x2db: {  	_ =	swait.ge [sflag:s11], $0x4000  }
0x2dc: {  	[sflag:s11] =	ssyncset.done $0x0  }
0x2dd: {  	[sflag:s11] =	ssyncadd.s32 $0xFFFFC000  }
0x2de: {  	v3 =	vld [tilespmem:$0x190];
	_ =	sdelay $0x4  }
0x2df: {  	v57 =	vshll.u32 v3, $0x3  }
0x2e0: {  	v3 =	vand.u32 $0x7, v3;
	v4 =	vand.u32 $0xFFFFFFC0, v57  }
0x2e1: {  	v3 =	vor.u32 v3, v4  }
0x2e2: {  	v4 =	vperm.xlane v3, v0;
	_ =	sdelay $0x1  }
0x2e3: {  	v4 =	vadd.s32 v1, v4;
	_ =	sdelay $0x4  }
0x2e4: {  	[tilespmem:s4], [sflag:$0x5] =	stream.indirect_vreg.gather [hbm4b:s2+s3], $0x80, v4, vm0, $0xb8;
	[tilespmem:$0x1C200] =	vst v63  }
0x2e5: {  	s10 =	simm.s32 $0x10A00;
	v3 =	vperm.xlane v3, v2  }
0x2e6: {  	[tilespmem:s10], [sflag:$0x5] =	stream.indirect_vreg.gather [hbm4b:s5+s3], $0x80, v4, vm0, $0xb8;
	[tilespmem:$0x1C200] =	vst v63  }
0x2e7: {  	s14 =	simm.s32 $0x11200;
	v3 =	vadd.s32 v1, v3  }
0x2e8: {  	[tilespmem:s14], [sflag:$0x5] =	stream.indirect_vreg.gather [hbm4b:s6+s3], $0x80, v4, vm0, $0xb8;
	[tilespmem:$0x1C200] =	vst v63  }
0x2e9: {  	s31 =	simm.s32 $0x11A00  }
0x2ea: {  	[tilespmem:s31], [sflag:$0x5] =	stream.indirect_vreg.gather [hbm4b:s7+s3], $0x80, v4, vm0, $0xb8;
	[tilespmem:$0x1C200] =	vst v63  }
0x2eb: {  	s10 =	simm.s32 $0x12200  }
0x2ec: {  	[tilespmem:s10], [sflag:$0x5] =	stream.indirect_vreg.gather [hbm4b:s2+s3], $0x80, v3, vm0, $0xb8;
	[tilespmem:$0x1C200] =	vst v63  }
0x2ed: {  	s14 =	simm.s32 $0x12A00  }
0x2ee: {  	[tilespmem:s14], [sflag:$0x5] =	stream.indirect_vreg.gather [hbm4b:s5+s3], $0x80, v3, vm0, $0xb8;
	[tilespmem:$0x1C200] =	vst v63  }
0x2ef: {  	s31 =	simm.s32 $0x13200  }
0x2f0: {  	[tilespmem:s31], [sflag:$0x5] =	stream.indirect_vreg.gather [hbm4b:s6+s3], $0x80, v3, vm0, $0xb8;
	[tilespmem:$0x1C200] =	vst v63  }
0x2f1: {  	s31 =	simm.s32 $0x13A00  }
0x2f2: {  	[tilespmem:s31], [sflag:$0x5] =	stream.indirect_vreg.gather [hbm4b:s7+s3], $0x80, v3, vm0, $0xb8;
	[tilespmem:$0x1C200] =	vst v63  }
0x2f3: {  	s4 =	simm.s32 $0x14200;
	s10 =	rddreg [dreg:$0x17]  }
0x2f4: {  	[hbm4b:s10+s3] =	stream.linear.scatter [tilespmem:s4], [sflag:$0xD], $0x4000, $0x38;
	[tilespmem:$0x1C200] =	vst v63  }
0x2f5: {  	_ =	swait.ge [sflag:s12], $0x4000  }
0x2f6: {  	[sflag:s12] =	ssyncset.done $0x0  }
0x2f7: {  	[sflag:s12] =	ssyncadd.s32 $0xFFFFC000  }
0x2f8: {  	_ =	swait.ge [sflag:s13], $0x4000  }
0x2f9: {  	[sflag:s13] =	ssyncset.done $0x0  }
0x2fa: {  	[sflag:s13] =	ssyncadd.s32 $0xFFFFC000  }
0x2fb: {  	v3 =	vld [tilespmem:$0x1A0];
	_ =	sdelay $0x4  }
0x2fc: {  	v58 =	vshll.u32 v3, $0x3  }
0x2fd: {  	v3 =	vand.u32 $0x7, v3;
	v4 =	vand.u32 $0xFFFFFFC0, v58  }
0x2fe: {  	v3 =	vor.u32 v3, v4  }
0x2ff: {  	v4 =	vperm.xlane v3, v0;
	_ =	sdelay $0x1  }
0x300: {  	v4 =	vadd.s32 v1, v4;
	_ =	sdelay $0x4  }
0x301: {  	[tilespmem:s4], [sflag:$0x6] =	stream.indirect_vreg.gather [hbm4b:s2+s3], $0x80, v4, vm0, $0xb8;
	[tilespmem:$0x1C200] =	vst v63  }
0x302: {  	s31 =	simm.s32 $0x14A00;
	v3 =	vperm.xlane v3, v2  }
0x303: {  	[tilespmem:s31], [sflag:$0x6] =	stream.indirect_vreg.gather [hbm4b:s5+s3], $0x80, v4, vm0, $0xb8;
	[tilespmem:$0x1C200] =	vst v63  }
0x304: {  	s14 =	simm.s32 $0x15200;
	v3 =	vadd.s32 v1, v3  }
0x305: {  	[tilespmem:s14], [sflag:$0x6] =	stream.indirect_vreg.gather [hbm4b:s6+s3], $0x80, v4, vm0, $0xb8;
	[tilespmem:$0x1C200] =	vst v63  }
0x306: {  	s31 =	simm.s32 $0x15A00  }
0x307: {  	[tilespmem:s31], [sflag:$0x6] =	stream.indirect_vreg.gather [hbm4b:s7+s3], $0x80, v4, vm0, $0xb8;
	[tilespmem:$0x1C200] =	vst v63  }
0x308: {  	s14 =	simm.s32 $0x16200  }
0x309: {  	[tilespmem:s14], [sflag:$0x6] =	stream.indirect_vreg.gather [hbm4b:s2+s3], $0x80, v3, vm0, $0xb8;
	[tilespmem:$0x1C200] =	vst v63  }
0x30a: {  	s31 =	simm.s32 $0x16A00  }
0x30b: {  	[tilespmem:s31], [sflag:$0x6] =	stream.indirect_vreg.gather [hbm4b:s5+s3], $0x80, v3, vm0, $0xb8;
	[tilespmem:$0x1C200] =	vst v63  }
0x30c: {  	s14 =	simm.s32 $0x17200  }
0x30d: {  	[tilespmem:s14], [sflag:$0x6] =	stream.indirect_vreg.gather [hbm4b:s6+s3], $0x80, v3, vm0, $0xb8;
	[tilespmem:$0x1C200] =	vst v63  }
0x30e: {  	s31 =	simm.s32 $0x17A00  }
0x30f: {  	[tilespmem:s31], [sflag:$0x6] =	stream.indirect_vreg.gather [hbm4b:s7+s3], $0x80, v3, vm0, $0xb8;
	[tilespmem:$0x1C200] =	vst v63  }
0x310: {  	s14 =	rddreg [dreg:$0x18];
	s31 =	simm.s32 $0x18200  }
0x311: {  	[hbm4b:s14+s3] =	stream.linear.scatter [tilespmem:s31], [sflag:$0xE], $0x4000, $0x38;
	[tilespmem:$0x1C200] =	vst v63  }
0x312: {  	_ =	swait.ge [sflag:s21], $0x4000  }
0x313: {  	[sflag:s21] =	ssyncset.done $0x0  }
0x314: {  	[sflag:s21] =	ssyncadd.s32 $0xFFFFC000  }
0x315: {  	_ =	swait.ge [sflag:s8], $0x4000  }
0x316: {  	[sflag:s8] =	ssyncset.done $0x0  }
0x317: {  	[sflag:s8] =	ssyncadd.s32 $0xFFFFC000  }
0x318: {  	v3 =	vld [tilespmem:$0x1B0];
	_ =	sdelay $0x4  }
0x319: {  	v59 =	vshll.u32 v3, $0x3  }
0x31a: {  	v3 =	vand.u32 $0x7, v3;
	v4 =	vand.u32 $0xFFFFFFC0, v59  }
0x31b: {  	v3 =	vor.u32 v3, v4  }
0x31c: {  	v4 =	vperm.xlane v3, v0;
	_ =	sdelay $0x1  }
0x31d: {  	v4 =	vadd.s32 v1, v4;
	_ =	sdelay $0x4  }
0x31e: {  	[tilespmem:s31], [sflag:$0x7] =	stream.indirect_vreg.gather [hbm4b:s2+s3], $0x80, v4, vm0, $0xb8;
	[tilespmem:$0x1C200] =	vst v63  }
0x31f: {  	v3 =	vperm.xlane v3, v2;
	s31 =	simm.s32 $0x18A00  }
0x320: {  	[tilespmem:s31], [sflag:$0x7] =	stream.indirect_vreg.gather [hbm4b:s5+s3], $0x80, v4, vm0, $0xb8;
	[tilespmem:$0x1C200] =	vst v63  }
0x321: {  	v3 =	vadd.s32 v1, v3;
	s31 =	simm.s32 $0x19200  }
0x322: {  	[tilespmem:s31], [sflag:$0x7] =	stream.indirect_vreg.gather [hbm4b:s6+s3], $0x80, v4, vm0, $0xb8;
	[tilespmem:$0x1C200] =	vst v63  }
0x323: {  	s31 =	simm.s32 $0x19A00  }
0x324: {  	[tilespmem:s31], [sflag:$0x7] =	stream.indirect_vreg.gather [hbm4b:s7+s3], $0x80, v4, vm0, $0xb8;
	[tilespmem:$0x1C200] =	vst v63  }
0x325: {  	s31 =	simm.s32 $0x1A200  }
0x326: {  	[tilespmem:s31], [sflag:$0x7] =	stream.indirect_vreg.gather [hbm4b:s2+s3], $0x80, v3, vm0, $0xb8;
	[tilespmem:$0x1C200] =	vst v63  }
0x327: {  	s31 =	simm.s32 $0x1AA00  }
0x328: {  	[tilespmem:s31], [sflag:$0x7] =	stream.indirect_vreg.gather [hbm4b:s5+s3], $0x80, v3, vm0, $0xb8;
	[tilespmem:$0x1C200] =	vst v63  }
0x329: {  	s31 =	simm.s32 $0x1B200  }
0x32a: {  	[tilespmem:s31], [sflag:$0x7] =	stream.indirect_vreg.gather [hbm4b:s6+s3], $0x80, v3, vm0, $0xb8;
	[tilespmem:$0x1C200] =	vst v63  }
0x32b: {  	s20 =	simm.s32 $0x1BA00  }
0x32c: {  	[tilespmem:s20], [sflag:$0x7] =	stream.indirect_vreg.gather [hbm4b:s7+s3], $0x80, v3, vm0, $0xb8;
	[tilespmem:$0x1C200] =	vst v63  }
0x32d: {  	s14 =	rddreg [dreg:$0x19];
	s31 =	simm.s32 $0x200  }
0x32e: {  	[hbm4b:s14+s3] =	stream.linear.scatter [tilespmem:s31], [sflag:$0x8], $0x4000, $0x38;
	[tilespmem:$0x1C200] =	vst v63  }
0x32f: {  	_ =	swait.ge [sflag:s23], $0x4000  }
0x330: {  	[sflag:s23] =	ssyncset.done $0x0  }
0x331: {  	[sflag:s23] =	ssyncadd.s32 $0xFFFFC000  }
0x332: {  	_ =	swait.ge [sflag:s24], $0x4000  }
0x333: {  	[sflag:s24] =	ssyncset.done $0x0  }
0x334: {  	[sflag:s24] =	ssyncadd.s32 $0xFFFFC000  }
0x335: {  	v3 =	vld [tilespmem:$0x1C0];
	_ =	sdelay $0x4  }
0x336: {  	v60 =	vshll.u32 v3, $0x3  }
0x337: {  	v3 =	vand.u32 $0x7, v3;
	v4 =	vand.u32 $0xFFFFFFC0, v60  }
0x338: {  	v3 =	vor.u32 v3, v4  }
0x339: {  	v4 =	vperm.xlane v3, v0;
	_ =	sdelay $0x1  }
0x33a: {  	v4 =	vadd.s32 v1, v4;
	_ =	sdelay $0x4  }
0x33b: {  	[tilespmem:s31], [sflag:$0x1] =	stream.indirect_vreg.gather [hbm4b:s2+s3], $0x80, v4, vm0, $0xb8;
	[tilespmem:$0x1C200] =	vst v63  }
0x33c: {  	v3 =	vperm.xlane v3, v2;
	s31 =	simm.s32 $0xA00  }
0x33d: {  	[tilespmem:s31], [sflag:$0x1] =	stream.indirect_vreg.gather [hbm4b:s5+s3], $0x80, v4, vm0, $0xb8;
	[tilespmem:$0x1C200] =	vst v63  }
0x33e: {  	v3 =	vadd.s32 v1, v3;
	s31 =	simm.s32 $0x1200  }
0x33f: {  	[tilespmem:s31], [sflag:$0x1] =	stream.indirect_vreg.gather [hbm4b:s6+s3], $0x80, v4, vm0, $0xb8;
	[tilespmem:$0x1C200] =	vst v63  }
0x340: {  	s31 =	simm.s32 $0x1A00  }
0x341: {  	[tilespmem:s31], [sflag:$0x1] =	stream.indirect_vreg.gather [hbm4b:s7+s3], $0x80, v4, vm0, $0xb8;
	[tilespmem:$0x1C200] =	vst v63  }
0x342: {  	s31 =	simm.s32 $0x2200  }
0x343: {  	[tilespmem:s31], [sflag:$0x1] =	stream.indirect_vreg.gather [hbm4b:s2+s3], $0x80, v3, vm0, $0xb8;
	[tilespmem:$0x1C200] =	vst v63  }
0x344: {  	s31 =	simm.s32 $0x2A00  }
0x345: {  	[tilespmem:s31], [sflag:$0x1] =	stream.indirect_vreg.gather [hbm4b:s5+s3], $0x80, v3, vm0, $0xb8;
	[tilespmem:$0x1C200] =	vst v63  }
0x346: {  	s31 =	simm.s32 $0x3200  }
0x347: {  	[tilespmem:s31], [sflag:$0x1] =	stream.indirect_vreg.gather [hbm4b:s6+s3], $0x80, v3, vm0, $0xb8;
	[tilespmem:$0x1C200] =	vst v63  }
0x348: {  	s18 =	simm.s32 $0x3A00  }
0x349: {  	[tilespmem:s18], [sflag:$0x1] =	stream.indirect_vreg.gather [hbm4b:s7+s3], $0x80, v3, vm0, $0xb8;
	[tilespmem:$0x1C200] =	vst v63  }
0x34a: {  	s14 =	rddreg [dreg:$0x1a];
	s31 =	simm.s32 $0x4200  }
0x34b: {  	[hbm4b:s14+s3] =	stream.linear.scatter [tilespmem:s31], [sflag:$0x9], $0x4000, $0x38;
	[tilespmem:$0x1C200] =	vst v63  }
0x34c: {  	_ =	swait.ge [sflag:s25], $0x4000  }
0x34d: {  	[sflag:s25] =	ssyncset.done $0x0  }
0x34e: {  	[sflag:s25] =	ssyncadd.s32 $0xFFFFC000  }
0x34f: {  	_ =	swait.ge [sflag:s28], $0x4000  }
0x350: {  	[sflag:s28] =	ssyncset.done $0x0  }
0x351: {  	[sflag:s28] =	ssyncadd.s32 $0xFFFFC000  }
0x352: {  	v3 =	vld [tilespmem:$0x1D0];
	_ =	sdelay $0x4  }
0x353: {  	v61 =	vshll.u32 v3, $0x3  }
0x354: {  	v3 =	vand.u32 $0x7, v3;
	v4 =	vand.u32 $0xFFFFFFC0, v61  }
0x355: {  	v3 =	vor.u32 v3, v4  }
0x356: {  	v4 =	vperm.xlane v3, v0;
	_ =	sdelay $0x1  }
0x357: {  	v4 =	vadd.s32 v1, v4;
	_ =	sdelay $0x4  }
0x358: {  	[tilespmem:s31], [sflag:$0x2] =	stream.indirect_vreg.gather [hbm4b:s2+s3], $0x80, v4, vm0, $0xb8;
	[tilespmem:$0x1C200] =	vst v63  }
0x359: {  	v3 =	vperm.xlane v3, v2;
	s31 =	simm.s32 $0x4A00  }
0x35a: {  	[tilespmem:s31], [sflag:$0x2] =	stream.indirect_vreg.gather [hbm4b:s5+s3], $0x80, v4, vm0, $0xb8;
	[tilespmem:$0x1C200] =	vst v63  }
0x35b: {  	v3 =	vadd.s32 v1, v3;
	s31 =	simm.s32 $0x5200  }
0x35c: {  	[tilespmem:s31], [sflag:$0x2] =	stream.indirect_vreg.gather [hbm4b:s6+s3], $0x80, v4, vm0, $0xb8;
	[tilespmem:$0x1C200] =	vst v63  }
0x35d: {  	s31 =	simm.s32 $0x5A00  }
0x35e: {  	[tilespmem:s31], [sflag:$0x2] =	stream.indirect_vreg.gather [hbm4b:s7+s3], $0x80, v4, vm0, $0xb8;
	[tilespmem:$0x1C200] =	vst v63  }
0x35f: {  	s31 =	simm.s32 $0x6200  }
0x360: {  	[tilespmem:s31], [sflag:$0x2] =	stream.indirect_vreg.gather [hbm4b:s2+s3], $0x80, v3, vm0, $0xb8;
	[tilespmem:$0x1C200] =	vst v63  }
0x361: {  	s31 =	simm.s32 $0x6A00  }
0x362: {  	[tilespmem:s31], [sflag:$0x2] =	stream.indirect_vreg.gather [hbm4b:s5+s3], $0x80, v3, vm0, $0xb8;
	[tilespmem:$0x1C200] =	vst v63  }
0x363: {  	s31 =	simm.s32 $0x7200  }
0x364: {  	[tilespmem:s31], [sflag:$0x2] =	stream.indirect_vreg.gather [hbm4b:s6+s3], $0x80, v3, vm0, $0xb8;
	[tilespmem:$0x1C200] =	vst v63  }
0x365: {  	s22 =	simm.s32 $0x7A00  }
0x366: {  	[tilespmem:s22], [sflag:$0x2] =	stream.indirect_vreg.gather [hbm4b:s7+s3], $0x80, v3, vm0, $0xb8;
	[tilespmem:$0x1C200] =	vst v63  }
0x367: {  	s14 =	rddreg [dreg:$0x1b];
	s31 =	simm.s32 $0x8200  }
0x368: {  	[hbm4b:s14+s3] =	stream.linear.scatter [tilespmem:s31], [sflag:$0xA], $0x4000, $0x38;
	[tilespmem:$0x1C200] =	vst v63  }
0x369: {  	_ =	swait.ge [sflag:s29], $0x4000  }
0x36a: {  	[sflag:s29] =	ssyncset.done $0x0  }
0x36b: {  	[sflag:s29] =	ssyncadd.s32 $0xFFFFC000  }
0x36c: {  	_ =	swait.ge [sflag:s30], $0x4000  }
0x36d: {  	[sflag:s30] =	ssyncset.done $0x0  }
0x36e: {  	[sflag:s30] =	ssyncadd.s32 $0xFFFFC000  }
0x36f: {  	v3 =	vld [tilespmem:$0x1E0];
	_ =	sdelay $0x4  }
0x370: {  	v62 =	vshll.u32 v3, $0x3  }
0x371: {  	v3 =	vand.u32 $0x7, v3;
	v4 =	vand.u32 $0xFFFFFFC0, v62  }
0x372: {  	v3 =	vor.u32 v3, v4  }
0x373: {  	v4 =	vperm.xlane v3, v0;
	_ =	sdelay $0x1  }
0x374: {  	v4 =	vadd.s32 v1, v4;
	_ =	sdelay $0x4  }
0x375: {  	[tilespmem:s31], [sflag:$0x3] =	stream.indirect_vreg.gather [hbm4b:s2+s3], $0x80, v4, vm0, $0xb8;
	[tilespmem:$0x1C200] =	vst v63  }
0x376: {  	v3 =	vperm.xlane v3, v2;
	s31 =	simm.s32 $0x8A00  }
0x377: {  	[tilespmem:s31], [sflag:$0x3] =	stream.indirect_vreg.gather [hbm4b:s5+s3], $0x80, v4, vm0, $0xb8;
	[tilespmem:$0x1C200] =	vst v63  }
0x378: {  	v3 =	vadd.s32 v1, v3  }
0x379: {  	[tilespmem:s19], [sflag:$0x3] =	stream.indirect_vreg.gather [hbm4b:s6+s3], $0x80, v4, vm0, $0xb8;
	[tilespmem:$0x1C200] =	vst v63  }
0x37a: {  	s31 =	simm.s32 $0x9A00  }
0x37b: {  	[tilespmem:s31], [sflag:$0x3] =	stream.indirect_vreg.gather [hbm4b:s7+s3], $0x80, v4, vm0, $0xb8;
	[tilespmem:$0x1C200] =	vst v63  }
0x37c: {  	s19 =	simm.s32 $0xA200  }
0x37d: {  	[tilespmem:s19], [sflag:$0x3] =	stream.indirect_vreg.gather [hbm4b:s2+s3], $0x80, v3, vm0, $0xb8;
	[tilespmem:$0x1C200] =	vst v63  }
0x37e: {  	s31 =	simm.s32 $0xAA00  }
0x37f: {  	[tilespmem:s31], [sflag:$0x3] =	stream.indirect_vreg.gather [hbm4b:s5+s3], $0x80, v3, vm0, $0xb8;
	[tilespmem:$0x1C200] =	vst v63  }
0x380: {  	s19 =	simm.s32 $0xB200  }
0x381: {  	[tilespmem:s19], [sflag:$0x3] =	stream.indirect_vreg.gather [hbm4b:s6+s3], $0x80, v3, vm0, $0xb8;
	[tilespmem:$0x1C200] =	vst v63  }
0x382: {  	s31 =	simm.s32 $0xBA00  }
0x383: {  	[tilespmem:s31], [sflag:$0x3] =	stream.indirect_vreg.gather [hbm4b:s7+s3], $0x80, v3, vm0, $0xb8;
	[tilespmem:$0x1C200] =	vst v63  }
0x384: {  	s14 =	rddreg [dreg:$0x1c];
	s19 =	simm.s32 $0xC200  }
0x385: {  	[hbm4b:s14+s3] =	stream.linear.scatter [tilespmem:s19], [sflag:$0xB], $0x4000, $0x38;
	[tilespmem:$0x1C200] =	vst v63  }
0x386: {  	_ =	swait.ge [sflag:s0], $0x4000  }
0x387: {  	[sflag:s0] =	ssyncset.done $0x0  }
0x388: {  	[sflag:s0] =	ssyncadd.s32 $0xFFFFC000  }
0x389: {  	_ =	swait.ge [sflag:s1], $0x4000  }
0x38a: {  	[sflag:s1] =	ssyncset.done $0x0  }
0x38b: {  	[sflag:s1] =	ssyncadd.s32 $0xFFFFC000  }
0x38c: {  	v3 =	vld [tilespmem:$0x1F0];
	_ =	sdelay $0x4  }
0x38d: {  	v63 =	vshll.u32 v3, $0x3  }
0x38e: {  	v3 =	vand.u32 $0x7, v3;
	v4 =	vand.u32 $0xFFFFFFC0, v63  }
0x38f: {  	v3 =	vor.u32 v3, v4  }
0x390: {  	v4 =	vperm.xlane v3, v0;
	_ =	sdelay $0x1  }
0x391: {  	v4 =	vadd.s32 v1, v4;
	_ =	sdelay $0x4  }
0x392: {  	[tilespmem:s19], [sflag:$0x4] =	stream.indirect_vreg.gather [hbm4b:s2+s3], $0x80, v4, vm0, $0xb8;
	[tilespmem:$0x1C200] =	vst v63  }
0x393: {  	s31 =	simm.s32 $0xCA00;
	v3 =	vperm.xlane v3, v2  }
0x394: {  	[tilespmem:s31], [sflag:$0x4] =	stream.indirect_vreg.gather [hbm4b:s5+s3], $0x80, v4, vm0, $0xb8;
	[tilespmem:$0x1C200] =	vst v63  }
0x395: {  	v3 =	vadd.s32 v1, v3;
	s19 =	simm.s32 $0xD200  }
0x396: {  	[tilespmem:s19], [sflag:$0x4] =	stream.indirect_vreg.gather [hbm4b:s6+s3], $0x80, v4, vm0, $0xb8;
	[tilespmem:$0x1C200] =	vst v63  }
0x397: {  	s31 =	simm.s32 $0xDA00  }
0x398: {  	[tilespmem:s31], [sflag:$0x4] =	stream.indirect_vreg.gather [hbm4b:s7+s3], $0x80, v4, vm0, $0xb8;
	[tilespmem:$0x1C200] =	vst v63  }
0x399: {  	s26 =	simm.s32 $0xE200  }
0x39a: {  	[tilespmem:s26], [sflag:$0x4] =	stream.indirect_vreg.gather [hbm4b:s2+s3], $0x80, v3, vm0, $0xb8;
	[tilespmem:$0x1C200] =	vst v63  }
0x39b: {  	s19 =	simm.s32 $0xEA00  }
0x39c: {  	[tilespmem:s19], [sflag:$0x4] =	stream.indirect_vreg.gather [hbm4b:s5+s3], $0x80, v3, vm0, $0xb8;
	[tilespmem:$0x1C200] =	vst v63  }
0x39d: {  	s17 =	simm.s32 $0xF200  }
0x39e: {  	[tilespmem:s17], [sflag:$0x4] =	stream.indirect_vreg.gather [hbm4b:s6+s3], $0x80, v3, vm0, $0xb8;
	[tilespmem:$0x1C200] =	vst v63  }
0x39f: {  	s31 =	simm.s32 $0xFA00  }
0x3a0: {  	[tilespmem:s31], [sflag:$0x4] =	stream.indirect_vreg.gather [hbm4b:s7+s3], $0x80, v3, vm0, $0xb8;
	[tilespmem:$0x1C200] =	vst v63  }
0x3a1: {  	s16 =	simm.s32 $0x10200;
	s26 =	rddreg [dreg:$0x1d]  }
0x3a2: {  	[hbm4b:s26+s3] =	stream.linear.scatter [tilespmem:s16], [sflag:$0xC], $0x4000, $0x38;
	[tilespmem:$0x1C200] =	vst v63  }
0x3a3: {  	_ =	swait.ge [sflag:s9], $0x4000  }
0x3a4: {  	[sflag:s9] =	ssyncset.done $0x0  }
0x3a5: {  	s4 =	simm.s32 $0x14200;
	s16 =	rddreg [dreg:$0x1e];
	[sflag:s9] =	ssyncadd.s32 $0xFFFFC000  }
0x3a6: {  	[hbm4b:s16+s3] =	stream.linear.scatter [tilespmem:s4], [sflag:$0xD], $0x4000, $0x38;
	[tilespmem:$0x1C200] =	vst v63  }
0x3a7: {  	_ =	swait.ge [sflag:s12], $0x4000  }
0x3a8: {  	[sflag:s12] =	ssyncset.done $0x0  }
0x3a9: {  	s10 =	simm.s32 $0x18200;
	s17 =	rddreg [dreg:$0x1f];
	[sflag:s12] =	ssyncadd.s32 $0xFFFFC000  }
0x3aa: {  	[hbm4b:s17+s3] =	stream.linear.scatter [tilespmem:s10], [sflag:$0xE], $0x4000, $0x38;
	[tilespmem:$0x1C200] =	vst v63  }
0x3ab: {  	_ =	swait.ge [sflag:s21], $0x4000  }
0x3ac: {  	s19 =	sld [smem:$0x7F9]  }
0x3ad: {  	[sflag:s21] =	ssyncset.done $0x0  }
0x3ae: {  	s20 =	simm.s32 $0x200;
	[sflag:s21] =	ssyncadd.s32 $0xFFFFC000  }
0x3af: {  	[hbm4b:s19+s3] =	stream.linear.scatter [tilespmem:s20], [sflag:$0x8], $0x4000, $0x38;
	[tilespmem:$0x1C200] =	vst v63  }
0x3b0: {  	_ =	swait.ge [sflag:s23], $0x4000  }
0x3b1: {  	s20 =	sld [smem:$0x7FA]  }
0x3b2: {  	[sflag:s23] =	ssyncset.done $0x0  }
0x3b3: {  	s18 =	simm.s32 $0x4200;
	[sflag:s23] =	ssyncadd.s32 $0xFFFFC000  }
0x3b4: {  	[hbm4b:s20+s3] =	stream.linear.scatter [tilespmem:s18], [sflag:$0x9], $0x4000, $0x38;
	[tilespmem:$0x1C200] =	vst v63  }
0x3b5: {  	_ =	swait.ge [sflag:s25], $0x4000  }
0x3b6: {  	s26 =	sld [smem:$0x7FB]  }
0x3b7: {  	[sflag:s25] =	ssyncset.done $0x0  }
0x3b8: {  	s22 =	simm.s32 $0x8200;
	[sflag:s25] =	ssyncadd.s32 $0xFFFFC000  }
0x3b9: {  	[hbm4b:s26+s3] =	stream.linear.scatter [tilespmem:s22], [sflag:$0xA], $0x4000, $0x38;
	[tilespmem:$0x1C200] =	vst v63  }
0x3ba: {  	_ =	swait.ge [sflag:s29], $0x4000  }
0x3bb: {  	s31 =	sld [smem:$0x7FD]  }
0x3bc: {  	[sflag:s29] =	ssyncset.done $0x0  }
0x3bd: {  	s0 =	simm.s32 $0xC200;
	[sflag:s29] =	ssyncadd.s32 $0xFFFFC000  }
0x3be: {  	[hbm4b:s31+s3] =	stream.linear.scatter [tilespmem:s0], [sflag:$0xB], $0x4000, $0x38;
	[tilespmem:$0x1C200] =	vst v63  }
0x3bf: {  	_ =	swait.ge [sflag:s11], $0x4000  }
0x3c0: {  	[sflag:s11] =	ssyncset.done $0x0  }
0x3c1: {  	[sflag:s11] =	ssyncadd.s32 $0xFFFFC000  }
0x3c2: {  	_ =	swait.ge [sflag:s13], $0x4000  }
0x3c3: {  	[sflag:s13] =	ssyncset.done $0x0  }
0x3c4: {  	[sflag:s13] =	ssyncadd.s32 $0xFFFFC000  }
0x3c5: {  	_ =	swait.ge [sflag:s8], $0x4000  }
0x3c6: {  	[sflag:s8] =	ssyncset.done $0x0  }
0x3c7: {  	[sflag:s8] =	ssyncadd.s32 $0xFFFFC000  }
0x3c8: {  	_ =	swait.ge [sflag:s24], $0x4000  }
0x3c9: {  	[sflag:s24] =	ssyncset.done $0x0  }
0x3ca: {  	[sflag:s24] =	ssyncadd.s32 $0xFFFFC000  }
0x3cb: {  	_ =	swait.ge [sflag:s28], $0x4000  }
0x3cc: {  	[sflag:s28] =	ssyncset.done $0x0  }
0x3cd: {  	[sflag:s28] =	ssyncadd.s32 $0xFFFFC000  }
0x3ce: {  	p0 =	sne.s32 s15, $0x1;
	_ =	swait.ge [sflag:s30], $0x4000  }
.Ltmp0:
0x3cf: {  	[sflag:s30] =	ssyncset.done $0x0;
	(pc) =	sbr.rel @p0 .LBB2_1-.Ltmp0, $4  }
0x3d0: {  	[sflag:s30] =	ssyncadd.s32 $0xFFFFC000  }
0x3d1: {  	_ =	swait.ge [sflag:s1], $0x4000  }
0x3d2: {  	[sflag:s1] =	ssyncset.done $0x0  }
0x3d3: {  	s15 =	sadd.s32 $0xFFFFFFFF, s15;
	[sflag:s1] =	ssyncadd.s32 $0xFFFFC000  }
0x3d4: {  	_ =	sfence.sel $0x180000  }
0x3d5: {  	[bflag:$0x0] =	sbarrier.arrive $0xFFFF  }
0x3d6: {  	_ =	strace $0x90000047  }
0x3d7: {  	s0 =	stileid.u32;
	[bflag:$0x2] =	sbarrier.arrive $0xFFFF  }
0x3d8: {  	p0 =	sne.s32 s0, $0x0;
	s0 =	rddreg [dreg:$0x3]  }
0x3d9: {  	s0 =	sadd.s32 @!p0 $0x100000, s0  }
0x3da: {  	[sflag:s0] =	ssyncadd.tile.s32 @!p0 $0x1;
	_ =	shalt  }
.Lfunc_end2:
_tile_overlayer_lowered:
.L_overlay_start_2:
0x3db: {  	(tag) =	ssettag $0x2  }
0x3dc: {  	s0 =	rddreg [dreg:$0x0];
	s2 =	stileid.u32  }
0x3dd: {  	s1 =	rddreg [dreg:$0x1];
	p0 =	sne.s32 s2, $0x0  }
0x3de: {  	s3 =	rddreg [dreg:$0x2];
	[bflag:$0x3] =	sbarrier.arrive $0xFFFF;
	s2 =	simm.s32 @!p0 $0x1C0F  }
0x3df: {  	[timem:s3], [sflag:s2] =	dma.local @!p0 [hbm:s0], s1  }
0x3e0: {  	s0 =	simm.s32 @!p0 $0xF  }
0x3e1: {  	_ =	swait.ge @!p0 [sflag:s0], s1  }
0x3e2: {  	s1 =	ssub.s32 @!p0 $0x0, s1;
	[sflag:s0] =	ssyncset.done @!p0 $0x0  }
0x3e3: {  	[sflag:s0] =	ssyncadd.s32 @!p0 s1  }
0x3e4: {  	[bflag:$0x3] =	sbarrier.arrive $0xFFFF  }
0x3e5: {  	_ =	shalt  }

</sc_bundles>
